<compile_context>
chip_gen: v7x
topology: tpu7x:2x2x1
jax: 0.10.2.dev20260603
libtpu: 0.0.44.dev20260713+nightly
codegen_flags: <defaults>
</compile_context>

<pallas_src>
import functools

import jax
import jax.numpy as jnp
from jax import lax
from jax.experimental import pallas as pl
from jax.experimental.pallas import tpu as pltpu
from jax.experimental.pallas import tpu_sc as plsc

NC = 2
NS = 16
NW = NC * NS
EMB = 32
HID = 64
OUT = 32
UNIT = 128
LANE = 128
GRP = LANE // EMB
MROW = 1024
BBT = GRP * MROW


def _make_format(table_rows: int):
    CW = LANE
    nchunk = table_rows // CW
    tail = table_rows - nchunk * CW
    mesh = plsc.VectorSubcoreMesh(
        core_axis_name="c", subcore_axis_name="s", num_cores=NC, num_subcores=NS
    )

    @functools.partial(
        pl.kernel,
        out_type=jax.ShapeDtypeStruct((table_rows * EMB // LANE, LANE), jnp.float32),
        mesh=mesh,
        scratch_types=[
            pltpu.VMEM((2, EMB, CW), jnp.float32),
            pltpu.VMEM((2, CW * EMB // LANE, LANE), jnp.float32),
            pltpu.SemaphoreType.DMA,
            pltpu.SemaphoreType.DMA,
            pltpu.SemaphoreType.DMA,
            pltpu.SemaphoreType.DMA,
        ],
        compiler_params=pltpu.CompilerParams(
            use_tc_tiling_on_sc=True, needs_layout_passes=False
        ),
    )
    def fmt_k(src_hbm, tail_hbm, out_hbm, tile_v, tr_v, sem0, sem1, fsem0, fsem1):
        wid = lax.axis_index("s") * NC + lax.axis_index("c")
        sems = (sem0, sem1)
        iota = lax.iota(jnp.int32, 16)
        nfull = nchunk // NW
        nextra = nchunk - nfull * NW

        def chunk_of(i):
            return wid + i * NW

        def transpose_chunk(b):
            @plsc.parallel_loop(0, CW * EMB // 16, unroll=8)
            def _(k):
                q = k // 8
                p = k % 8
                f_idx = iota + (p % 2) * 16
                l_idx = jnp.broadcast_to(4 * q + p // 2, (16,)).astype(jnp.int32)
                vals = plsc.load_gather(tile_v.at[b], [f_idx, l_idx])
                tr_v[b, q, pl.ds(p * 16, 16)] = vals

        def issue(i, b):
            t = chunk_of(i)
            pltpu.async_copy(
                src_hbm.at[:, pl.ds(t * CW, CW)], tile_v.at[b], sems[b]
            )

        def wait(i, b):
            t = chunk_of(i)
            pltpu.make_async_copy(
                src_hbm.at[:, pl.ds(t * CW, CW)], tile_v.at[b], sems[b]
            ).wait()

        fsems = (fsem0, fsem1)

        orows = CW * EMB // LANE

        def flush(i, b):
            t = chunk_of(i)
            pltpu.async_copy(
                tr_v.at[b], out_hbm.at[pl.ds(t * orows, orows)], fsems[b]
            )

        def wait_flush(b):
            pltpu.make_async_copy(
                tr_v.at[b], out_hbm.at[pl.ds(0, orows)], fsems[b]
            ).wait()

        has_extra = wid < nextra
        issue(0, 0)
        issue(1, 1)

        def body(tpair, carry):
            for b in range(2):
                i = 2 * tpair + b
                wait(i, b)

                @pl.when(i >= 2)
                def _():
                    wait_flush(b)

                transpose_chunk(b)

                @pl.when((i + 2 < nfull) | ((i + 2 == nfull) & has_extra))
                def _():
                    issue(i + 2, b)

                flush(i, b)
            return carry

        lax.fori_loop(0, nfull // 2, body, 0)

        def last(i, b):
            wait(i, b)
            wait_flush(b)
            transpose_chunk(b)
            flush(i, b)

        if nfull % 2 == 1:
            last(nfull - 1, 0)

            @pl.when(has_extra)
            def _():
                last(nfull, 1)
        else:
            @pl.when(has_extra)
            def _():
                last(nfull, 0)

        wait_flush(0)
        wait_flush(1)

        if tail:
            @pl.when(wid == 0)
            def _():
                pltpu.sync_copy(
                    tail_hbm,
                    out_hbm.at[pl.ds(nchunk * orows, tail * EMB // LANE)],
                )

    return fmt_k


def _make_gather(batch: int, hist: int):
    n_rows = batch * hist
    cols_per_w = batch // NW
    tunits = cols_per_w // UNIT
    nunit = hist * tunits
    nj = batch // BBT
    mesh = plsc.VectorSubcoreMesh(
        core_axis_name="c", subcore_axis_name="s", num_cores=NC, num_subcores=NS
    )

    @functools.partial(
        pl.kernel,
        out_type=jax.ShapeDtypeStruct((n_rows // GRP, LANE), jnp.float32),
        mesh=mesh,
        scratch_types=[
            pltpu.VMEM((hist, cols_per_w), jnp.int32),
            pltpu.VMEM((2, UNIT, EMB), jnp.float32),
            pltpu.SemaphoreType.DMA,
            pltpu.SemaphoreType.DMA,
        ],
        compiler_params=pltpu.CompilerParams(use_tc_tiling_on_sc=False),
    )
    def gather_k(table_hbm, idx_hbm, out_hbm, idx_v, rows_v, sem0, sem1):
        wid = lax.axis_index("s") * NC + lax.axis_index("c")
        col0 = wid * cols_per_w
        jblk = wid // 8
        jgrp = (wid % 8) // 2
        half = (wid % 2) * 512
        lane0 = jgrp * EMB
        pltpu.sync_copy(idx_hbm.at[:, pl.ds(col0, cols_per_w)], idx_v)
        sems = (sem0, sem1)

        def unit_src(u):
            l = u // tunits
            t = u % tunits
            return table_hbm.at[idx_v.at[l, pl.ds(t * UNIT, UNIT)]]

        def unit_dst(u):
            l = u // tunits
            t = u % tunits
            q0 = (l * nj + jblk) * MROW + half + t * UNIT
            return out_hbm.at[pl.ds(q0, UNIT), pl.ds(lane0, EMB)]

        for b in range(2):
            pltpu.async_copy(unit_src(b), rows_v.at[b], sems[b])

        def body(t, carry):
            for b in range(2):
                u = 2 * t + b
                pltpu.make_async_copy(unit_src(u), rows_v.at[b], sems[b]).wait()
                pltpu.sync_copy(rows_v.at[b], unit_dst(u))
                pltpu.async_copy(unit_src(u + 2), rows_v.at[b], sems[b])
            return carry

        lax.fori_loop(0, nunit // 2 - 1, body, 0)

        for b in range(2):
            u = nunit - 2 + b
            pltpu.make_async_copy(unit_src(u), rows_v.at[b], sems[b]).wait()
            pltpu.sync_copy(rows_v.at[b], unit_dst(u))

    return gather_k


def _mlp_body(x_ref, w1_ref, b1_ref, w2_ref, b2_ref, o_ref):
    xp = x_ref[...]
    w1 = w1_ref[...]
    b1 = b1_ref[...]
    w2 = w2_ref[...]
    b2 = b2_ref[...]
    for j in range(GRP):
        x = xp[:, j * EMB:(j + 1) * EMB]
        pre1 = jnp.dot(x, w1, preferred_element_type=jnp.float32) + b1
        h = 1.0 / (1.0 + jnp.exp(-pre1))
        pre2 = jnp.dot(h, w2, preferred_element_type=jnp.float32) + b2
        y = 1.0 / (1.0 + jnp.exp(-pre2))
        o_ref[0, :, pl.ds(j * MROW, MROW)] = y.T


def _mlp(x_packed, W1, b1, W2, b2, batch, hist):
    nj = batch // BBT
    return pl.pallas_call(
        _mlp_body,
        grid=(hist, nj),
        in_specs=[
            pl.BlockSpec((MROW, LANE), lambda l, j: (l * nj + j, 0)),
            pl.BlockSpec((EMB, HID), lambda l, j: (0, 0)),
            pl.BlockSpec((1, HID), lambda l, j: (0, 0)),
            pl.BlockSpec((HID, OUT), lambda l, j: (0, 0)),
            pl.BlockSpec((1, OUT), lambda l, j: (0, 0)),
        ],
        out_specs=pl.BlockSpec((1, OUT, BBT), lambda l, j: (l, 0, j)),
        out_shape=jax.ShapeDtypeStruct((hist, OUT, batch), jnp.float32),
    )(x_packed, W1, b1, W2, b2)


def kernel(cards_id, emb_table, W1, b1, W2, b2):
    batch, hist = cards_id.shape
    assert batch % (NW * UNIT) == 0 and batch % BBT == 0
    idx_t = cards_id.T.astype(jnp.int32)
    table_rows = emb_table.shape[0]
    ntile = table_rows // 128
    tail = table_rows - ntile * 128
    tail_p = emb_table[ntile * 128:].reshape(tail * EMB // LANE, LANE)
    fmt_k = _make_format(table_rows)
    table_p = fmt_k(emb_table.T, tail_p)
    table_c = table_p.reshape(table_rows, EMB)
    gather_k = _make_gather(batch, hist)
    packed = gather_k(table_c, idx_t)
    out_t = _mlp(
        packed, W1, b1.reshape(1, HID), W2, b2.reshape(1, OUT), batch, hist,
    )
    return out_t.transpose(2, 0, 1)

# --- scband reference (transcript-rebuilt; emitter-appended) ---
"""Pipeline reference for scband-card-model-15582141350346 (READ-ONLY COPY).

The authoritative reference and input builder live on the scoring server;
editing this copy changes nothing except your own understanding.
"""

import jax, jax.numpy as jnp
import numpy as np

CARDS_NUM = 1000000
EMB_DIM = 32
HIDDEN = 64
STATE = 32
BATCH = 16384
HIST = 50


def setup_inputs(seed: int = 0) -> dict:
    key = jax.random.key(seed)
    k_idx, k_emb, k_w1, k_b1, k_w2, k_b2 = jax.random.split(key, 6)
    cards_id = jax.random.randint(k_idx, (BATCH, HIST), 0, CARDS_NUM, dtype=jnp.int64 if jax.config.read('jax_enable_x64') else jnp.int32)
    emb_table = jax.random.normal(k_emb, (CARDS_NUM, EMB_DIM), dtype=jnp.float32) * 0.02
    W1 = jax.random.normal(k_w1, (EMB_DIM, HIDDEN), dtype=jnp.float32) * (1.0 / np.sqrt(EMB_DIM))
    b1 = jax.random.normal(k_b1, (HIDDEN,), dtype=jnp.float32) * 0.01
    W2 = jax.random.normal(k_w2, (HIDDEN, STATE), dtype=jnp.float32) * (1.0 / np.sqrt(HIDDEN))
    b2 = jax.random.normal(k_b2, (STATE,), dtype=jnp.float32) * 0.01
    return {"cards_id": cards_id, "emb_table": emb_table, "W1": W1, "b1": b1, "W2": W2, "b2": b2}


def reference(cards_id, emb_table, W1, b1, W2, b2):
    # card_embedding lookup
    cards_embedding = jnp.take(emb_table, cards_id, axis=0)  # [B, L, EMB_DIM]
    # linear1 + sigmoid
    hidden = jnp.einsum('bld,dh->blh', cards_embedding, W1) + b1
    hidden = jax.nn.sigmoid(hidden)
    # linear2 + sigmoid
    state = jnp.einsum('blh,hs->bls', hidden, W2) + b2
    state = jax.nn.sigmoid(state)
    return state

if __name__ == "__main__":
    import jax
    _d = setup_inputs()
    print(jax.jit(kernel)(*tuple(_d.values())))

</pallas_src>

<mosaic_0001>
#map = affine_map<(d0, d1) -> (0, 0)>
module attributes {stable_mosaic.version = 14 : i64} {
  func.func @gather_k(%arg0: i32, %arg1: i32, %arg2: memref<1000000x32xf32, #tpu.memory_space<hbm>>, %arg3: memref<50x16384xi32, #tpu.memory_space<hbm>>, %arg4: memref<204800x128xf32, #tpu.memory_space<hbm>>, %arg5: memref<50x512xi32, #tpu.memory_space<vmem>>, %arg6: memref<2x128x32xf32, #tpu.memory_space<vmem>>, %arg7: memref<!tpu.dma_semaphore, #tpu.memory_space<semaphore_mem>>, %arg8: memref<!tpu.dma_semaphore, #tpu.memory_space<semaphore_mem>>) attributes {dimension_semantics = [#tpu.dimension_semantics<core_parallel>, #tpu.dimension_semantics<subcore_parallel>], iteration_bounds = array<i64: 2, 16>, scalar_prefetch = 0 : i64, scratch_operands = 4 : i64, tpu.core_type = #tpu.core_type<sc_vector_subcore>, window_params = [{transform_indices = #map}, {transform_indices = #map}, {transform_indices = #map}]} {
    %mul3A = arith.constant 2 : i32
    %mul3A_0 = arith.muli %arg1, %mul3A : i32
    %add3A = arith.addi %mul3A_0, %arg0 : i32
    %mul3A_1 = arith.constant 512 : i32
    %mul3A_2 = arith.muli %add3A, %mul3A_1 : i32
    %jit3A = arith.constant 8 : i32
    %div3A = arith.divsi %add3A, %jit3A : i32
    %sign3A = arith.constant 0 : i32
    %sign3A_3 = arith.cmpi sgt, %add3A, %sign3A : i32
    %sign3A_4 = arith.extui %sign3A_3 : i1 to i32
    %sign3A_5 = arith.constant 0 : i32
    %sign3A_6 = arith.cmpi slt, %add3A, %sign3A_5 : i32
    %sign3A_7 = arith.extui %sign3A_6 : i1 to i32
    %sign3A_8 = arith.subi %sign3A_4, %sign3A_7 : i32
    %sign3A_9 = arith.constant 0 : i32
    %sign3A_10 = arith.cmpi sgt, %jit3A, %sign3A_9 : i32
    %sign3A_11 = arith.extui %sign3A_10 : i1 to i32
    %sign3A_12 = arith.constant 0 : i32
    %sign3A_13 = arith.cmpi slt, %jit3A, %sign3A_12 : i32
    %sign3A_14 = arith.extui %sign3A_13 : i1 to i32
    %sign3A_15 = arith.subi %sign3A_11, %sign3A_14 : i32
    %ne3A = arith.cmpi ne, %sign3A_8, %sign3A_15 : i32
    %rem3A = arith.remsi %add3A, %jit3A : i32
    %ne3A_16 = arith.constant 0 : i32
    %ne3A_17 = arith.cmpi ne, %rem3A, %ne3A_16 : i32
    %and3A = arith.andi %ne3A, %ne3A_17 : i1
    %sub3A = arith.constant 1 : i32
    %sub3A_18 = arith.subi %div3A, %sub3A : i32
    %select_n3A = arith.select %and3A, %sub3A_18, %div3A : i32
    %jit3A_19 = arith.constant 8 : i32
    %eq3A = arith.constant 0 : i32
    %eq3A_20 = arith.cmpi eq, %jit3A_19, %eq3A : i32
    %jit3A_21 = arith.constant 1 : i32
    %select_n3A_22 = arith.select %eq3A_20, %jit3A_21, %jit3A_19 : i32
    %rem3A_23 = arith.remsi %add3A, %select_n3A_22 : i32
    %ne3A_24 = arith.constant 0 : i32
    %ne3A_25 = arith.cmpi ne, %rem3A_23, %ne3A_24 : i32
    %lt3A = arith.constant 0 : i32
    %lt3A_26 = arith.cmpi slt, %rem3A_23, %lt3A : i32
    %lt3A_27 = arith.constant 0 : i32
    %lt3A_28 = arith.cmpi slt, %select_n3A_22, %lt3A_27 : i32
    %ne3A_29 = arith.xori %lt3A_26, %lt3A_28 : i1
    %and3A_30 = arith.andi %ne3A_29, %ne3A_25 : i1
    %add3A_31 = arith.addi %rem3A_23, %select_n3A_22 : i32
    %select_n3A_32 = arith.select %and3A_30, %add3A_31, %rem3A_23 : i32
    %jit3A_33 = arith.constant 2 : i32
    %div3A_34 = arith.divsi %select_n3A_32, %jit3A_33 : i32
    %sign3A_35 = arith.constant 0 : i32
    %sign3A_36 = arith.cmpi sgt, %select_n3A_32, %sign3A_35 : i32
    %sign3A_37 = arith.extui %sign3A_36 : i1 to i32
    %sign3A_38 = arith.constant 0 : i32
    %sign3A_39 = arith.cmpi slt, %select_n3A_32, %sign3A_38 : i32
    %sign3A_40 = arith.extui %sign3A_39 : i1 to i32
    %sign3A_41 = arith.subi %sign3A_37, %sign3A_40 : i32
    %sign3A_42 = arith.constant 0 : i32
    %sign3A_43 = arith.cmpi sgt, %jit3A_33, %sign3A_42 : i32
    %sign3A_44 = arith.extui %sign3A_43 : i1 to i32
    %sign3A_45 = arith.constant 0 : i32
    %sign3A_46 = arith.cmpi slt, %jit3A_33, %sign3A_45 : i32
    %sign3A_47 = arith.extui %sign3A_46 : i1 to i32
    %sign3A_48 = arith.subi %sign3A_44, %sign3A_47 : i32
    %ne3A_49 = arith.cmpi ne, %sign3A_41, %sign3A_48 : i32
    %rem3A_50 = arith.remsi %select_n3A_32, %jit3A_33 : i32
    %ne3A_51 = arith.constant 0 : i32
    %ne3A_52 = arith.cmpi ne, %rem3A_50, %ne3A_51 : i32
    %and3A_53 = arith.andi %ne3A_49, %ne3A_52 : i1
    %sub3A_54 = arith.constant 1 : i32
    %sub3A_55 = arith.subi %div3A_34, %sub3A_54 : i32
    %select_n3A_56 = arith.select %and3A_53, %sub3A_55, %div3A_34 : i32
    %jit3A_57 = arith.constant 2 : i32
    %eq3A_58 = arith.constant 0 : i32
    %eq3A_59 = arith.cmpi eq, %jit3A_57, %eq3A_58 : i32
    %jit3A_60 = arith.constant 1 : i32
    %select_n3A_61 = arith.select %eq3A_59, %jit3A_60, %jit3A_57 : i32
    %rem3A_62 = arith.remsi %add3A, %select_n3A_61 : i32
    %ne3A_63 = arith.constant 0 : i32
    %ne3A_64 = arith.cmpi ne, %rem3A_62, %ne3A_63 : i32
    %lt3A_65 = arith.constant 0 : i32
    %lt3A_66 = arith.cmpi slt, %rem3A_62, %lt3A_65 : i32
    %lt3A_67 = arith.constant 0 : i32
    %lt3A_68 = arith.cmpi slt, %select_n3A_61, %lt3A_67 : i32
    %ne3A_69 = arith.xori %lt3A_66, %lt3A_68 : i1
    %and3A_70 = arith.andi %ne3A_69, %ne3A_64 : i1
    %add3A_71 = arith.addi %rem3A_62, %select_n3A_61 : i32
    %select_n3A_72 = arith.select %and3A_70, %add3A_71, %rem3A_62 : i32
    %mul3A_73 = arith.constant 512 : i32
    %mul3A_74 = arith.muli %select_n3A_72, %mul3A_73 : i32
    %mul3A_75 = arith.constant 32 : i32
    %mul3A_76 = arith.muli %select_n3A_56, %mul3A_75 : i32
    "tpu.region"() ({
      %run_scoped3A_143 = tpu.sem_alloc : memref<!tpu.dma_semaphore, #tpu.memory_space<semaphore_mem>>
      %dma_start3A_144 = arith.constant 0 : i32
      %dma_start3A_145 = tpu.memref_slice %arg3[%dma_start3A_144, %mul3A_2] : memref<50x16384xi32, #tpu.memory_space<hbm>> -> memref<50x512xi32, #tpu.memory_space<hbm>>
      %dma_start3A_146 = arith.constant 0 : i32
      %dma_start3A_147 = tpu.memref_slice %arg3[%dma_start3A_146, %mul3A_2] : memref<50x16384xi32, #tpu.memory_space<hbm>> -> memref<50x512xi32, #tpu.memory_space<hbm>>
      tpu.enqueue_dma source(%dma_start3A_147 : memref<50x512xi32, #tpu.memory_space<hbm>>) target(%arg5 : memref<50x512xi32, #tpu.memory_space<vmem>>) target_semaphore(%run_scoped3A_143 : memref<!tpu.dma_semaphore, #tpu.memory_space<semaphore_mem>>)
      %dma_wait3A_148 = arith.constant 0 : i32
      %dma_wait3A_149 = tpu.memref_slice %arg3[%dma_wait3A_148, %mul3A_2] : memref<50x16384xi32, #tpu.memory_space<hbm>> -> memref<50x512xi32, #tpu.memory_space<hbm>>
      %dma_wait3A_150 = arith.constant 0 : i32
      %dma_wait3A_151 = tpu.memref_slice %arg3[%dma_wait3A_150, %mul3A_2] : memref<50x16384xi32, #tpu.memory_space<hbm>> -> memref<50x512xi32, #tpu.memory_space<hbm>>
      tpu.wait_dma2 semaphore(%run_scoped3A_143 : memref<!tpu.dma_semaphore, #tpu.memory_space<semaphore_mem>>) src(%dma_wait3A_151 : memref<50x512xi32, #tpu.memory_space<hbm>>) dst(%arg5 : memref<50x512xi32, #tpu.memory_space<vmem>>)
      tpu.yield
    }) : () -> ()
    %dma_start3A = arith.constant 0 : i32
    %dma_start3A_77 = arith.constant 0 : i32
    %dma_start3A_78 = arith.constant 0 : i32
    %dma_start3A_79 = arith.constant 0 : i32
    %dma_start3A_80 = tpu.memref_slice %arg6[%dma_start3A_77, %dma_start3A_78, %dma_start3A_79] : memref<2x128x32xf32, #tpu.memory_space<vmem>> -> memref<1x128x32xf32, #tpu.memory_space<vmem>>
    %dma_start3A_81 = tpu.memref_squeeze %dma_start3A_80 : memref<1x128x32xf32, #tpu.memory_space<vmem>> -> memref<128x32xf32, #tpu.memory_space<vmem>>
    %dma_start3A_82 = arith.constant 0 : i32
    %dma_start3A_83 = tpu.memref_slice %arg5[%dma_start3A, %dma_start3A_82] : memref<50x512xi32, #tpu.memory_space<vmem>> -> memref<1x128xi32, #tpu.memory_space<vmem>>
    %dma_start3A_84 = tpu.memref_squeeze %dma_start3A_83 : memref<1x128xi32, #tpu.memory_space<vmem>> -> memref<128xi32, #tpu.memory_space<vmem>>
    %dma_start3A_85 = arith.constant 0 : i32
    %dma_start3A_86 = arith.constant 0 : i32
    %dma_start3A_87 = tpu.memref_slice %arg2[%dma_start3A_85, %dma_start3A_86] : memref<1000000x32xf32, #tpu.memory_space<hbm>> -> memref<1000000x32xf32, #tpu.memory_space<hbm>>
    tpu.enqueue_indirect_dma source(%dma_start3A_87 : memref<1000000x32xf32, #tpu.memory_space<hbm>>) target(%dma_start3A_81 : memref<128x32xf32, #tpu.memory_space<vmem>>) offsets(%dma_start3A_84 : memref<128xi32, #tpu.memory_space<vmem>>) semaphore(%arg7 : memref<!tpu.dma_semaphore, #tpu.memory_space<semaphore_mem>>)
    %dma_start3A_88 = arith.constant 0 : i32
    %dma_start3A_89 = arith.constant 1 : i32
    %dma_start3A_90 = arith.constant 0 : i32
    %dma_start3A_91 = arith.constant 0 : i32
    %dma_start3A_92 = tpu.memref_slice %arg6[%dma_start3A_89, %dma_start3A_90, %dma_start3A_91] : memref<2x128x32xf32, #tpu.memory_space<vmem>> -> memref<1x128x32xf32, #tpu.memory_space<vmem>>
    %dma_start3A_93 = tpu.memref_squeeze %dma_start3A_92 : memref<1x128x32xf32, #tpu.memory_space<vmem>> -> memref<128x32xf32, #tpu.memory_space<vmem>>
    %dma_start3A_94 = arith.constant 128 : i32
    %dma_start3A_95 = tpu.memref_slice %arg5[%dma_start3A_88, %dma_start3A_94] : memref<50x512xi32, #tpu.memory_space<vmem>> -> memref<1x128xi32, #tpu.memory_space<vmem>>
    %dma_start3A_96 = tpu.memref_squeeze %dma_start3A_95 : memref<1x128xi32, #tpu.memory_space<vmem>> -> memref<128xi32, #tpu.memory_space<vmem>>
    %dma_start3A_97 = arith.constant 0 : i32
    %dma_start3A_98 = arith.constant 0 : i32
    %dma_start3A_99 = tpu.memref_slice %arg2[%dma_start3A_97, %dma_start3A_98] : memref<1000000x32xf32, #tpu.memory_space<hbm>> -> memref<1000000x32xf32, #tpu.memory_space<hbm>>
    tpu.enqueue_indirect_dma source(%dma_start3A_99 : memref<1000000x32xf32, #tpu.memory_space<hbm>>) target(%dma_start3A_93 : memref<128x32xf32, #tpu.memory_space<vmem>>) offsets(%dma_start3A_96 : memref<128xi32, #tpu.memory_space<vmem>>) semaphore(%arg8 : memref<!tpu.dma_semaphore, #tpu.memory_space<semaphore_mem>>)
    %scan3A = arith.constant 0 : i32
    %scan3A_100 = arith.constant 0 : i32
    %scan3A_101 = arith.constant 99 : i32
    %scan3A_102 = arith.addi %scan3A_100, %scan3A_101 : i32
    %scan3A_103 = arith.constant 1 : i32
    scf.for %scan3A_143 = %scan3A_100 to %scan3A_102 step %scan3A_103  : i32 {
      %mul3A_144 = arith.constant 2 : i32
      %mul3A_145 = arith.muli %mul3A_144, %scan3A_143 : i32
      %add3A_146 = arith.constant 0 : i32
      %add3A_147 = arith.addi %mul3A_145, %add3A_146 : i32
      %jit3A_148 = arith.constant 4 : i32
      %div3A_149 = arith.divsi %add3A_147, %jit3A_148 : i32
      %sign3A_150 = arith.constant 0 : i32
      %sign3A_151 = arith.cmpi sgt, %add3A_147, %sign3A_150 : i32
      %sign3A_152 = arith.extui %sign3A_151 : i1 to i32
      %sign3A_153 = arith.constant 0 : i32
      %sign3A_154 = arith.cmpi slt, %add3A_147, %sign3A_153 : i32
      %sign3A_155 = arith.extui %sign3A_154 : i1 to i32
      %sign3A_156 = arith.subi %sign3A_152, %sign3A_155 : i32
      %sign3A_157 = arith.constant 0 : i32
      %sign3A_158 = arith.cmpi sgt, %jit3A_148, %sign3A_157 : i32
      %sign3A_159 = arith.extui %sign3A_158 : i1 to i32
      %sign3A_160 = arith.constant 0 : i32
      %sign3A_161 = arith.cmpi slt, %jit3A_148, %sign3A_160 : i32
      %sign3A_162 = arith.extui %sign3A_161 : i1 to i32
      %sign3A_163 = arith.subi %sign3A_159, %sign3A_162 : i32
      %ne3A_164 = arith.cmpi ne, %sign3A_156, %sign3A_163 : i32
      %rem3A_165 = arith.remsi %add3A_147, %jit3A_148 : i32
      %ne3A_166 = arith.constant 0 : i32
      %ne3A_167 = arith.cmpi ne, %rem3A_165, %ne3A_166 : i32
      %and3A_168 = arith.andi %ne3A_164, %ne3A_167 : i1
      %sub3A_169 = arith.constant 1 : i32
      %sub3A_170 = arith.subi %div3A_149, %sub3A_169 : i32
      %select_n3A_171 = arith.select %and3A_168, %sub3A_170, %div3A_149 : i32
      %jit3A_172 = arith.constant 4 : i32
      %eq3A_173 = arith.constant 0 : i32
      %eq3A_174 = arith.cmpi eq, %jit3A_172, %eq3A_173 : i32
      %jit3A_175 = arith.constant 1 : i32
      %select_n3A_176 = arith.select %eq3A_174, %jit3A_175, %jit3A_172 : i32
      %rem3A_177 = arith.remsi %add3A_147, %select_n3A_176 : i32
      %ne3A_178 = arith.constant 0 : i32
      %ne3A_179 = arith.cmpi ne, %rem3A_177, %ne3A_178 : i32
      %lt3A_180 = arith.constant 0 : i32
      %lt3A_181 = arith.cmpi slt, %rem3A_177, %lt3A_180 : i32
      %lt3A_182 = arith.constant 0 : i32
      %lt3A_183 = arith.cmpi slt, %select_n3A_176, %lt3A_182 : i32
      %ne3A_184 = arith.xori %lt3A_181, %lt3A_183 : i1
      %and3A_185 = arith.andi %ne3A_184, %ne3A_179 : i1
      %add3A_186 = arith.addi %rem3A_177, %select_n3A_176 : i32
      %select_n3A_187 = arith.select %and3A_185, %add3A_186, %rem3A_177 : i32
      %mul3A_188 = arith.constant 128 : i32
      %mul3A_189 = arith.muli %select_n3A_187, %mul3A_188 : i32
      %dma_wait3A_190 = arith.constant 0 : i32
      %dma_wait3A_191 = arith.constant 0 : i32
      %dma_wait3A_192 = arith.constant 0 : i32
      %dma_wait3A_193 = tpu.memref_slice %arg6[%dma_wait3A_190, %dma_wait3A_191, %dma_wait3A_192] : memref<2x128x32xf32, #tpu.memory_space<vmem>> -> memref<1x128x32xf32, #tpu.memory_space<vmem>>
      %dma_wait3A_194 = tpu.memref_squeeze %dma_wait3A_193 : memref<1x128x32xf32, #tpu.memory_space<vmem>> -> memref<128x32xf32, #tpu.memory_space<vmem>>
      %dma_wait3A_195 = tpu.memref_slice %arg5[%select_n3A_171, %mul3A_189] : memref<50x512xi32, #tpu.memory_space<vmem>> -> memref<1x128xi32, #tpu.memory_space<vmem>>
      %dma_wait3A_196 = tpu.memref_squeeze %dma_wait3A_195 : memref<1x128xi32, #tpu.memory_space<vmem>> -> memref<128xi32, #tpu.memory_space<vmem>>
      %dma_wait3A_197 = arith.constant 0 : i32
      %dma_wait3A_198 = arith.constant 0 : i32
      %dma_wait3A_199 = tpu.memref_slice %arg2[%dma_wait3A_197, %dma_wait3A_198] : memref<1000000x32xf32, #tpu.memory_space<hbm>> -> memref<1000000x32xf32, #tpu.memory_space<hbm>>
      tpu.wait_indirect_dma semaphore(%arg7 : memref<!tpu.dma_semaphore, #tpu.memory_space<semaphore_mem>>) src(%dma_wait3A_199 : memref<1000000x32xf32, #tpu.memory_space<hbm>>) dst(%dma_wait3A_194 : memref<128x32xf32, #tpu.memory_space<vmem>>)
      %jit3A_200 = arith.constant 4 : i32
      %div3A_201 = arith.divsi %add3A_147, %jit3A_200 : i32
      %sign3A_202 = arith.constant 0 : i32
      %sign3A_203 = arith.cmpi sgt, %add3A_147, %sign3A_202 : i32
      %sign3A_204 = arith.extui %sign3A_203 : i1 to i32
      %sign3A_205 = arith.constant 0 : i32
      %sign3A_206 = arith.cmpi slt, %add3A_147, %sign3A_205 : i32
      %sign3A_207 = arith.extui %sign3A_206 : i1 to i32
      %sign3A_208 = arith.subi %sign3A_204, %sign3A_207 : i32
      %sign3A_209 = arith.constant 0 : i32
      %sign3A_210 = arith.cmpi sgt, %jit3A_200, %sign3A_209 : i32
      %sign3A_211 = arith.extui %sign3A_210 : i1 to i32
      %sign3A_212 = arith.constant 0 : i32
      %sign3A_213 = arith.cmpi slt, %jit3A_200, %sign3A_212 : i32
      %sign3A_214 = arith.extui %sign3A_213 : i1 to i32
      %sign3A_215 = arith.subi %sign3A_211, %sign3A_214 : i32
      %ne3A_216 = arith.cmpi ne, %sign3A_208, %sign3A_215 : i32
      %rem3A_217 = arith.remsi %add3A_147, %jit3A_200 : i32
      %ne3A_218 = arith.constant 0 : i32
      %ne3A_219 = arith.cmpi ne, %rem3A_217, %ne3A_218 : i32
      %and3A_220 = arith.andi %ne3A_216, %ne3A_219 : i1
      %sub3A_221 = arith.constant 1 : i32
      %sub3A_222 = arith.subi %div3A_201, %sub3A_221 : i32
      %select_n3A_223 = arith.select %and3A_220, %sub3A_222, %div3A_201 : i32
      %jit3A_224 = arith.constant 4 : i32
      %eq3A_225 = arith.constant 0 : i32
      %eq3A_226 = arith.cmpi eq, %jit3A_224, %eq3A_225 : i32
      %jit3A_227 = arith.constant 1 : i32
      %select_n3A_228 = arith.select %eq3A_226, %jit3A_227, %jit3A_224 : i32
      %rem3A_229 = arith.remsi %add3A_147, %select_n3A_228 : i32
      %ne3A_230 = arith.constant 0 : i32
      %ne3A_231 = arith.cmpi ne, %rem3A_229, %ne3A_230 : i32
      %lt3A_232 = arith.constant 0 : i32
      %lt3A_233 = arith.cmpi slt, %rem3A_229, %lt3A_232 : i32
      %lt3A_234 = arith.constant 0 : i32
      %lt3A_235 = arith.cmpi slt, %select_n3A_228, %lt3A_234 : i32
      %ne3A_236 = arith.xori %lt3A_233, %lt3A_235 : i1
      %and3A_237 = arith.andi %ne3A_236, %ne3A_231 : i1
      %add3A_238 = arith.addi %rem3A_229, %select_n3A_228 : i32
      %select_n3A_239 = arith.select %and3A_237, %add3A_238, %rem3A_229 : i32
      %mul3A_240 = arith.constant 4 : i32
      %mul3A_241 = arith.muli %select_n3A_223, %mul3A_240 : i32
      %add3A_242 = arith.addi %mul3A_241, %select_n3A : i32
      %mul3A_243 = arith.constant 1024 : i32
      %mul3A_244 = arith.muli %add3A_242, %mul3A_243 : i32
      %add3A_245 = arith.addi %mul3A_244, %mul3A_74 : i32
      %mul3A_246 = arith.constant 128 : i32
      %mul3A_247 = arith.muli %select_n3A_239, %mul3A_246 : i32
      %add3A_248 = arith.addi %add3A_245, %mul3A_247 : i32
      %run_scoped3A_249 = arith.constant 0 : i32
      "tpu.region"() ({
        %run_scoped3A_464 = tpu.sem_alloc : memref<!tpu.dma_semaphore, #tpu.memory_space<semaphore_mem>>
        %dma_start3A_465 = arith.constant 0 : i32
        %dma_start3A_466 = arith.constant 0 : i32
        %dma_start3A_467 = tpu.memref_slice %arg6[%run_scoped3A_249, %dma_start3A_465, %dma_start3A_466] : memref<2x128x32xf32, #tpu.memory_space<vmem>> -> memref<1x128x32xf32, #tpu.memory_space<vmem>>
        %dma_start3A_468 = tpu.memref_squeeze %dma_start3A_467 : memref<1x128x32xf32, #tpu.memory_space<vmem>> -> memref<128x32xf32, #tpu.memory_space<vmem>>
        %dma_start3A_469 = tpu.memref_slice %arg4[%add3A_248, %mul3A_76] : memref<204800x128xf32, #tpu.memory_space<hbm>> -> memref<128x32xf32, #tpu.memory_space<hbm>>
        %dma_start3A_470 = tpu.memref_slice %arg4[%add3A_248, %mul3A_76] : memref<204800x128xf32, #tpu.memory_space<hbm>> -> memref<128x32xf32, #tpu.memory_space<hbm>>
        %dma_start3A_471 = arith.constant 0 : i32
        %dma_start3A_472 = arith.constant 0 : i32
        %dma_start3A_473 = tpu.memref_slice %arg6[%run_scoped3A_249, %dma_start3A_471, %dma_start3A_472] : memref<2x128x32xf32, #tpu.memory_space<vmem>> -> memref<1x128x32xf32, #tpu.memory_space<vmem>>
        %dma_start3A_474 = tpu.memref_squeeze %dma_start3A_473 : memref<1x128x32xf32, #tpu.memory_space<vmem>> -> memref<128x32xf32, #tpu.memory_space<vmem>>
        tpu.enqueue_dma source(%dma_start3A_474 : memref<128x32xf32, #tpu.memory_space<vmem>>) target(%dma_start3A_470 : memref<128x32xf32, #tpu.memory_space<hbm>>) target_semaphore(%run_scoped3A_464 : memref<!tpu.dma_semaphore, #tpu.memory_space<semaphore_mem>>)
        %dma_wait3A_475 = arith.constant 0 : i32
        %dma_wait3A_476 = arith.constant 0 : i32
        %dma_wait3A_477 = tpu.memref_slice %arg6[%run_scoped3A_249, %dma_wait3A_475, %dma_wait3A_476] : memref<2x128x32xf32, #tpu.memory_space<vmem>> -> memref<1x128x32xf32, #tpu.memory_space<vmem>>
        %dma_wait3A_478 = tpu.memref_squeeze %dma_wait3A_477 : memref<1x128x32xf32, #tpu.memory_space<vmem>> -> memref<128x32xf32, #tpu.memory_space<vmem>>
        %dma_wait3A_479 = tpu.memref_slice %arg4[%add3A_248, %mul3A_76] : memref<204800x128xf32, #tpu.memory_space<hbm>> -> memref<128x32xf32, #tpu.memory_space<hbm>>
        %dma_wait3A_480 = tpu.memref_slice %arg4[%add3A_248, %mul3A_76] : memref<204800x128xf32, #tpu.memory_space<hbm>> -> memref<128x32xf32, #tpu.memory_space<hbm>>
        %dma_wait3A_481 = arith.constant 0 : i32
        %dma_wait3A_482 = arith.constant 0 : i32
        %dma_wait3A_483 = tpu.memref_slice %arg6[%run_scoped3A_249, %dma_wait3A_481, %dma_wait3A_482] : memref<2x128x32xf32, #tpu.memory_space<vmem>> -> memref<1x128x32xf32, #tpu.memory_space<vmem>>
        %dma_wait3A_484 = tpu.memref_squeeze %dma_wait3A_483 : memref<1x128x32xf32, #tpu.memory_space<vmem>> -> memref<128x32xf32, #tpu.memory_space<vmem>>
        tpu.wait_dma2 semaphore(%run_scoped3A_464 : memref<!tpu.dma_semaphore, #tpu.memory_space<semaphore_mem>>) src(%dma_wait3A_484 : memref<128x32xf32, #tpu.memory_space<vmem>>) dst(%dma_wait3A_480 : memref<128x32xf32, #tpu.memory_space<hbm>>)
        tpu.yield
      }) : () -> ()
      %add3A_250 = arith.constant 2 : i32
      %add3A_251 = arith.addi %add3A_147, %add3A_250 : i32
      %jit3A_252 = arith.constant 4 : i32
      %div3A_253 = arith.divsi %add3A_251, %jit3A_252 : i32
      %sign3A_254 = arith.constant 0 : i32
      %sign3A_255 = arith.cmpi sgt, %add3A_251, %sign3A_254 : i32
      %sign3A_256 = arith.extui %sign3A_255 : i1 to i32
      %sign3A_257 = arith.constant 0 : i32
      %sign3A_258 = arith.cmpi slt, %add3A_251, %sign3A_257 : i32
      %sign3A_259 = arith.extui %sign3A_258 : i1 to i32
      %sign3A_260 = arith.subi %sign3A_256, %sign3A_259 : i32
      %sign3A_261 = arith.constant 0 : i32
      %sign3A_262 = arith.cmpi sgt, %jit3A_252, %sign3A_261 : i32
      %sign3A_263 = arith.extui %sign3A_262 : i1 to i32
      %sign3A_264 = arith.constant 0 : i32
      %sign3A_265 = arith.cmpi slt, %jit3A_252, %sign3A_264 : i32
      %sign3A_266 = arith.extui %sign3A_265 : i1 to i32
      %sign3A_267 = arith.subi %sign3A_263, %sign3A_266 : i32
      %ne3A_268 = arith.cmpi ne, %sign3A_260, %sign3A_267 : i32
      %rem3A_269 = arith.remsi %add3A_251, %jit3A_252 : i32
      %ne3A_270 = arith.constant 0 : i32
      %ne3A_271 = arith.cmpi ne, %rem3A_269, %ne3A_270 : i32
      %and3A_272 = arith.andi %ne3A_268, %ne3A_271 : i1
      %sub3A_273 = arith.constant 1 : i32
      %sub3A_274 = arith.subi %div3A_253, %sub3A_273 : i32
      %select_n3A_275 = arith.select %and3A_272, %sub3A_274, %div3A_253 : i32
      %jit3A_276 = arith.constant 4 : i32
      %eq3A_277 = arith.constant 0 : i32
      %eq3A_278 = arith.cmpi eq, %jit3A_276, %eq3A_277 : i32
      %jit3A_279 = arith.constant 1 : i32
      %select_n3A_280 = arith.select %eq3A_278, %jit3A_279, %jit3A_276 : i32
      %rem3A_281 = arith.remsi %add3A_251, %select_n3A_280 : i32
      %ne3A_282 = arith.constant 0 : i32
      %ne3A_283 = arith.cmpi ne, %rem3A_281, %ne3A_282 : i32
      %lt3A_284 = arith.constant 0 : i32
      %lt3A_285 = arith.cmpi slt, %rem3A_281, %lt3A_284 : i32
      %lt3A_286 = arith.constant 0 : i32
      %lt3A_287 = arith.cmpi slt, %select_n3A_280, %lt3A_286 : i32
      %ne3A_288 = arith.xori %lt3A_285, %lt3A_287 : i1
      %and3A_289 = arith.andi %ne3A_288, %ne3A_283 : i1
      %add3A_290 = arith.addi %rem3A_281, %select_n3A_280 : i32
      %select_n3A_291 = arith.select %and3A_289, %add3A_290, %rem3A_281 : i32
      %mul3A_292 = arith.constant 128 : i32
      %mul3A_293 = arith.muli %select_n3A_291, %mul3A_292 : i32
      %dma_start3A_294 = arith.constant 0 : i32
      %dma_start3A_295 = arith.constant 0 : i32
      %dma_start3A_296 = arith.constant 0 : i32
      %dma_start3A_297 = tpu.memref_slice %arg6[%dma_start3A_294, %dma_start3A_295, %dma_start3A_296] : memref<2x128x32xf32, #tpu.memory_space<vmem>> -> memref<1x128x32xf32, #tpu.memory_space<vmem>>
      %dma_start3A_298 = tpu.memref_squeeze %dma_start3A_297 : memref<1x128x32xf32, #tpu.memory_space<vmem>> -> memref<128x32xf32, #tpu.memory_space<vmem>>
      %dma_start3A_299 = tpu.memref_slice %arg5[%select_n3A_275, %mul3A_293] : memref<50x512xi32, #tpu.memory_space<vmem>> -> memref<1x128xi32, #tpu.memory_space<vmem>>
      %dma_start3A_300 = tpu.memref_squeeze %dma_start3A_299 : memref<1x128xi32, #tpu.memory_space<vmem>> -> memref<128xi32, #tpu.memory_space<vmem>>
      %dma_start3A_301 = arith.constant 0 : i32
      %dma_start3A_302 = arith.constant 0 : i32
      %dma_start3A_303 = tpu.memref_slice %arg2[%dma_start3A_301, %dma_start3A_302] : memref<1000000x32xf32, #tpu.memory_space<hbm>> -> memref<1000000x32xf32, #tpu.memory_space<hbm>>
      tpu.enqueue_indirect_dma source(%dma_start3A_303 : memref<1000000x32xf32, #tpu.memory_space<hbm>>) target(%dma_start3A_298 : memref<128x32xf32, #tpu.memory_space<vmem>>) offsets(%dma_start3A_300 : memref<128xi32, #tpu.memory_space<vmem>>) semaphore(%arg7 : memref<!tpu.dma_semaphore, #tpu.memory_space<semaphore_mem>>)
      %mul3A_304 = arith.constant 2 : i32
      %mul3A_305 = arith.muli %mul3A_304, %scan3A_143 : i32
      %add3A_306 = arith.constant 1 : i32
      %add3A_307 = arith.addi %mul3A_305, %add3A_306 : i32
      %jit3A_308 = arith.constant 4 : i32
      %div3A_309 = arith.divsi %add3A_307, %jit3A_308 : i32
      %sign3A_310 = arith.constant 0 : i32
      %sign3A_311 = arith.cmpi sgt, %add3A_307, %sign3A_310 : i32
      %sign3A_312 = arith.extui %sign3A_311 : i1 to i32
      %sign3A_313 = arith.constant 0 : i32
      %sign3A_314 = arith.cmpi slt, %add3A_307, %sign3A_313 : i32
      %sign3A_315 = arith.extui %sign3A_314 : i1 to i32
      %sign3A_316 = arith.subi %sign3A_312, %sign3A_315 : i32
      %sign3A_317 = arith.constant 0 : i32
      %sign3A_318 = arith.cmpi sgt, %jit3A_308, %sign3A_317 : i32
      %sign3A_319 = arith.extui %sign3A_318 : i1 to i32
      %sign3A_320 = arith.constant 0 : i32
      %sign3A_321 = arith.cmpi slt, %jit3A_308, %sign3A_320 : i32
      %sign3A_322 = arith.extui %sign3A_321 : i1 to i32
      %sign3A_323 = arith.subi %sign3A_319, %sign3A_322 : i32
      %ne3A_324 = arith.cmpi ne, %sign3A_316, %sign3A_323 : i32
      %rem3A_325 = arith.remsi %add3A_307, %jit3A_308 : i32
      %ne3A_326 = arith.constant 0 : i32
      %ne3A_327 = arith.cmpi ne, %rem3A_325, %ne3A_326 : i32
      %and3A_328 = arith.andi %ne3A_324, %ne3A_327 : i1
      %sub3A_329 = arith.constant 1 : i32
      %sub3A_330 = arith.subi %div3A_309, %sub3A_329 : i32
      %select_n3A_331 = arith.select %and3A_328, %sub3A_330, %div3A_309 : i32
      %jit3A_332 = arith.constant 4 : i32
      %eq3A_333 = arith.constant 0 : i32
      %eq3A_334 = arith.cmpi eq, %jit3A_332, %eq3A_333 : i32
      %jit3A_335 = arith.constant 1 : i32
      %select_n3A_336 = arith.select %eq3A_334, %jit3A_335, %jit3A_332 : i32
      %rem3A_337 = arith.remsi %add3A_307, %select_n3A_336 : i32
      %ne3A_338 = arith.constant 0 : i32
      %ne3A_339 = arith.cmpi ne, %rem3A_337, %ne3A_338 : i32
      %lt3A_340 = arith.constant 0 : i32
      %lt3A_341 = arith.cmpi slt, %rem3A_337, %lt3A_340 : i32
      %lt3A_342 = arith.constant 0 : i32
      %lt3A_343 = arith.cmpi slt, %select_n3A_336, %lt3A_342 : i32
      %ne3A_344 = arith.xori %lt3A_341, %lt3A_343 : i1
      %and3A_345 = arith.andi %ne3A_344, %ne3A_339 : i1
      %add3A_346 = arith.addi %rem3A_337, %select_n3A_336 : i32
      %select_n3A_347 = arith.select %and3A_345, %add3A_346, %rem3A_337 : i32
      %mul3A_348 = arith.constant 128 : i32
      %mul3A_349 = arith.muli %select_n3A_347, %mul3A_348 : i32
      %dma_wait3A_350 = arith.constant 1 : i32
      %dma_wait3A_351 = arith.constant 0 : i32
      %dma_wait3A_352 = arith.constant 0 : i32
      %dma_wait3A_353 = tpu.memref_slice %arg6[%dma_wait3A_350, %dma_wait3A_351, %dma_wait3A_352] : memref<2x128x32xf32, #tpu.memory_space<vmem>> -> memref<1x128x32xf32, #tpu.memory_space<vmem>>
      %dma_wait3A_354 = tpu.memref_squeeze %dma_wait3A_353 : memref<1x128x32xf32, #tpu.memory_space<vmem>> -> memref<128x32xf32, #tpu.memory_space<vmem>>
      %dma_wait3A_355 = tpu.memref_slice %arg5[%select_n3A_331, %mul3A_349] : memref<50x512xi32, #tpu.memory_space<vmem>> -> memref<1x128xi32, #tpu.memory_space<vmem>>
      %dma_wait3A_356 = tpu.memref_squeeze %dma_wait3A_355 : memref<1x128xi32, #tpu.memory_space<vmem>> -> memref<128xi32, #tpu.memory_space<vmem>>
      %dma_wait3A_357 = arith.constant 0 : i32
      %dma_wait3A_358 = arith.constant 0 : i32
      %dma_wait3A_359 = tpu.memref_slice %arg2[%dma_wait3A_357, %dma_wait3A_358] : memref<1000000x32xf32, #tpu.memory_space<hbm>> -> memref<1000000x32xf32, #tpu.memory_space<hbm>>
      tpu.wait_indirect_dma semaphore(%arg8 : memref<!tpu.dma_semaphore, #tpu.memory_space<semaphore_mem>>) src(%dma_wait3A_359 : memref<1000000x32xf32, #tpu.memory_space<hbm>>) dst(%dma_wait3A_354 : memref<128x32xf32, #tpu.memory_space<vmem>>)
      %jit3A_360 = arith.constant 4 : i32
      %div3A_361 = arith.divsi %add3A_307, %jit3A_360 : i32
      %sign3A_362 = arith.constant 0 : i32
      %sign3A_363 = arith.cmpi sgt, %add3A_307, %sign3A_362 : i32
      %sign3A_364 = arith.extui %sign3A_363 : i1 to i32
      %sign3A_365 = arith.constant 0 : i32
      %sign3A_366 = arith.cmpi slt, %add3A_307, %sign3A_365 : i32
      %sign3A_367 = arith.extui %sign3A_366 : i1 to i32
      %sign3A_368 = arith.subi %sign3A_364, %sign3A_367 : i32
      %sign3A_369 = arith.constant 0 : i32
      %sign3A_370 = arith.cmpi sgt, %jit3A_360, %sign3A_369 : i32
      %sign3A_371 = arith.extui %sign3A_370 : i1 to i32
      %sign3A_372 = arith.constant 0 : i32
      %sign3A_373 = arith.cmpi slt, %jit3A_360, %sign3A_372 : i32
      %sign3A_374 = arith.extui %sign3A_373 : i1 to i32
      %sign3A_375 = arith.subi %sign3A_371, %sign3A_374 : i32
      %ne3A_376 = arith.cmpi ne, %sign3A_368, %sign3A_375 : i32
      %rem3A_377 = arith.remsi %add3A_307, %jit3A_360 : i32
      %ne3A_378 = arith.constant 0 : i32
      %ne3A_379 = arith.cmpi ne, %rem3A_377, %ne3A_378 : i32
      %and3A_380 = arith.andi %ne3A_376, %ne3A_379 : i1
      %sub3A_381 = arith.constant 1 : i32
      %sub3A_382 = arith.subi %div3A_361, %sub3A_381 : i32
      %select_n3A_383 = arith.select %and3A_380, %sub3A_382, %div3A_361 : i32
      %jit3A_384 = arith.constant 4 : i32
      %eq3A_385 = arith.constant 0 : i32
      %eq3A_386 = arith.cmpi eq, %jit3A_384, %eq3A_385 : i32
      %jit3A_387 = arith.constant 1 : i32
      %select_n3A_388 = arith.select %eq3A_386, %jit3A_387, %jit3A_384 : i32
      %rem3A_389 = arith.remsi %add3A_307, %select_n3A_388 : i32
      %ne3A_390 = arith.constant 0 : i32
      %ne3A_391 = arith.cmpi ne, %rem3A_389, %ne3A_390 : i32
      %lt3A_392 = arith.constant 0 : i32
      %lt3A_393 = arith.cmpi slt, %rem3A_389, %lt3A_392 : i32
      %lt3A_394 = arith.constant 0 : i32
      %lt3A_395 = arith.cmpi slt, %select_n3A_388, %lt3A_394 : i32
      %ne3A_396 = arith.xori %lt3A_393, %lt3A_395 : i1
      %and3A_397 = arith.andi %ne3A_396, %ne3A_391 : i1
      %add3A_398 = arith.addi %rem3A_389, %select_n3A_388 : i32
      %select_n3A_399 = arith.select %and3A_397, %add3A_398, %rem3A_389 : i32
      %mul3A_400 = arith.constant 4 : i32
      %mul3A_401 = arith.muli %select_n3A_383, %mul3A_400 : i32
      %add3A_402 = arith.addi %mul3A_401, %select_n3A : i32
      %mul3A_403 = arith.constant 1024 : i32
      %mul3A_404 = arith.muli %add3A_402, %mul3A_403 : i32
      %add3A_405 = arith.addi %mul3A_404, %mul3A_74 : i32
      %mul3A_406 = arith.constant 128 : i32
      %mul3A_407 = arith.muli %select_n3A_399, %mul3A_406 : i32
      %add3A_408 = arith.addi %add3A_405, %mul3A_407 : i32
      %run_scoped3A_409 = arith.constant 1 : i32
      "tpu.region"() ({
        %run_scoped3A_464 = tpu.sem_alloc : memref<!tpu.dma_semaphore, #tpu.memory_space<semaphore_mem>>
        %dma_start3A_465 = arith.constant 0 : i32
        %dma_start3A_466 = arith.constant 0 : i32
        %dma_start3A_467 = tpu.memref_slice %arg6[%run_scoped3A_409, %dma_start3A_465, %dma_start3A_466] : memref<2x128x32xf32, #tpu.memory_space<vmem>> -> memref<1x128x32xf32, #tpu.memory_space<vmem>>
        %dma_start3A_468 = tpu.memref_squeeze %dma_start3A_467 : memref<1x128x32xf32, #tpu.memory_space<vmem>> -> memref<128x32xf32, #tpu.memory_space<vmem>>
        %dma_start3A_469 = tpu.memref_slice %arg4[%add3A_408, %mul3A_76] : memref<204800x128xf32, #tpu.memory_space<hbm>> -> memref<128x32xf32, #tpu.memory_space<hbm>>
        %dma_start3A_470 = tpu.memref_slice %arg4[%add3A_408, %mul3A_76] : memref<204800x128xf32, #tpu.memory_space<hbm>> -> memref<128x32xf32, #tpu.memory_space<hbm>>
        %dma_start3A_471 = arith.constant 0 : i32
        %dma_start3A_472 = arith.constant 0 : i32
        %dma_start3A_473 = tpu.memref_slice %arg6[%run_scoped3A_409, %dma_start3A_471, %dma_start3A_472] : memref<2x128x32xf32, #tpu.memory_space<vmem>> -> memref<1x128x32xf32, #tpu.memory_space<vmem>>
        %dma_start3A_474 = tpu.memref_squeeze %dma_start3A_473 : memref<1x128x32xf32, #tpu.memory_space<vmem>> -> memref<128x32xf32, #tpu.memory_space<vmem>>
        tpu.enqueue_dma source(%dma_start3A_474 : memref<128x32xf32, #tpu.memory_space<vmem>>) target(%dma_start3A_470 : memref<128x32xf32, #tpu.memory_space<hbm>>) target_semaphore(%run_scoped3A_464 : memref<!tpu.dma_semaphore, #tpu.memory_space<semaphore_mem>>)
        %dma_wait3A_475 = arith.constant 0 : i32
        %dma_wait3A_476 = arith.constant 0 : i32
        %dma_wait3A_477 = tpu.memref_slice %arg6[%run_scoped3A_409, %dma_wait3A_475, %dma_wait3A_476] : memref<2x128x32xf32, #tpu.memory_space<vmem>> -> memref<1x128x32xf32, #tpu.memory_space<vmem>>
        %dma_wait3A_478 = tpu.memref_squeeze %dma_wait3A_477 : memref<1x128x32xf32, #tpu.memory_space<vmem>> -> memref<128x32xf32, #tpu.memory_space<vmem>>
        %dma_wait3A_479 = tpu.memref_slice %arg4[%add3A_408, %mul3A_76] : memref<204800x128xf32, #tpu.memory_space<hbm>> -> memref<128x32xf32, #tpu.memory_space<hbm>>
        %dma_wait3A_480 = tpu.memref_slice %arg4[%add3A_408, %mul3A_76] : memref<204800x128xf32, #tpu.memory_space<hbm>> -> memref<128x32xf32, #tpu.memory_space<hbm>>
        %dma_wait3A_481 = arith.constant 0 : i32
        %dma_wait3A_482 = arith.constant 0 : i32
        %dma_wait3A_483 = tpu.memref_slice %arg6[%run_scoped3A_409, %dma_wait3A_481, %dma_wait3A_482] : memref<2x128x32xf32, #tpu.memory_space<vmem>> -> memref<1x128x32xf32, #tpu.memory_space<vmem>>
        %dma_wait3A_484 = tpu.memref_squeeze %dma_wait3A_483 : memref<1x128x32xf32, #tpu.memory_space<vmem>> -> memref<128x32xf32, #tpu.memory_space<vmem>>
        tpu.wait_dma2 semaphore(%run_scoped3A_464 : memref<!tpu.dma_semaphore, #tpu.memory_space<semaphore_mem>>) src(%dma_wait3A_484 : memref<128x32xf32, #tpu.memory_space<vmem>>) dst(%dma_wait3A_480 : memref<128x32xf32, #tpu.memory_space<hbm>>)
        tpu.yield
      }) : () -> ()
      %add3A_410 = arith.constant 2 : i32
      %add3A_411 = arith.addi %add3A_307, %add3A_410 : i32
      %jit3A_412 = arith.constant 4 : i32
      %div3A_413 = arith.divsi %add3A_411, %jit3A_412 : i32
      %sign3A_414 = arith.constant 0 : i32
      %sign3A_415 = arith.cmpi sgt, %add3A_411, %sign3A_414 : i32
      %sign3A_416 = arith.extui %sign3A_415 : i1 to i32
      %sign3A_417 = arith.constant 0 : i32
      %sign3A_418 = arith.cmpi slt, %add3A_411, %sign3A_417 : i32
      %sign3A_419 = arith.extui %sign3A_418 : i1 to i32
      %sign3A_420 = arith.subi %sign3A_416, %sign3A_419 : i32
      %sign3A_421 = arith.constant 0 : i32
      %sign3A_422 = arith.cmpi sgt, %jit3A_412, %sign3A_421 : i32
      %sign3A_423 = arith.extui %sign3A_422 : i1 to i32
      %sign3A_424 = arith.constant 0 : i32
      %sign3A_425 = arith.cmpi slt, %jit3A_412, %sign3A_424 : i32
      %sign3A_426 = arith.extui %sign3A_425 : i1 to i32
      %sign3A_427 = arith.subi %sign3A_423, %sign3A_426 : i32
      %ne3A_428 = arith.cmpi ne, %sign3A_420, %sign3A_427 : i32
      %rem3A_429 = arith.remsi %add3A_411, %jit3A_412 : i32
      %ne3A_430 = arith.constant 0 : i32
      %ne3A_431 = arith.cmpi ne, %rem3A_429, %ne3A_430 : i32
      %and3A_432 = arith.andi %ne3A_428, %ne3A_431 : i1
      %sub3A_433 = arith.constant 1 : i32
      %sub3A_434 = arith.subi %div3A_413, %sub3A_433 : i32
      %select_n3A_435 = arith.select %and3A_432, %sub3A_434, %div3A_413 : i32
      %jit3A_436 = arith.constant 4 : i32
      %eq3A_437 = arith.constant 0 : i32
      %eq3A_438 = arith.cmpi eq, %jit3A_436, %eq3A_437 : i32
      %jit3A_439 = arith.constant 1 : i32
      %select_n3A_440 = arith.select %eq3A_438, %jit3A_439, %jit3A_436 : i32
      %rem3A_441 = arith.remsi %add3A_411, %select_n3A_440 : i32
      %ne3A_442 = arith.constant 0 : i32
      %ne3A_443 = arith.cmpi ne, %rem3A_441, %ne3A_442 : i32
      %lt3A_444 = arith.constant 0 : i32
      %lt3A_445 = arith.cmpi slt, %rem3A_441, %lt3A_444 : i32
      %lt3A_446 = arith.constant 0 : i32
      %lt3A_447 = arith.cmpi slt, %select_n3A_440, %lt3A_446 : i32
      %ne3A_448 = arith.xori %lt3A_445, %lt3A_447 : i1
      %and3A_449 = arith.andi %ne3A_448, %ne3A_443 : i1
      %add3A_450 = arith.addi %rem3A_441, %select_n3A_440 : i32
      %select_n3A_451 = arith.select %and3A_449, %add3A_450, %rem3A_441 : i32
      %mul3A_452 = arith.constant 128 : i32
      %mul3A_453 = arith.muli %select_n3A_451, %mul3A_452 : i32
      %dma_start3A_454 = arith.constant 1 : i32
      %dma_start3A_455 = arith.constant 0 : i32
      %dma_start3A_456 = arith.constant 0 : i32
      %dma_start3A_457 = tpu.memref_slice %arg6[%dma_start3A_454, %dma_start3A_455, %dma_start3A_456] : memref<2x128x32xf32, #tpu.memory_space<vmem>> -> memref<1x128x32xf32, #tpu.memory_space<vmem>>
      %dma_start3A_458 = tpu.memref_squeeze %dma_start3A_457 : memref<1x128x32xf32, #tpu.memory_space<vmem>> -> memref<128x32xf32, #tpu.memory_space<vmem>>
      %dma_start3A_459 = tpu.memref_slice %arg5[%select_n3A_435, %mul3A_453] : memref<50x512xi32, #tpu.memory_space<vmem>> -> memref<1x128xi32, #tpu.memory_space<vmem>>
      %dma_start3A_460 = tpu.memref_squeeze %dma_start3A_459 : memref<1x128xi32, #tpu.memory_space<vmem>> -> memref<128xi32, #tpu.memory_space<vmem>>
      %dma_start3A_461 = arith.constant 0 : i32
      %dma_start3A_462 = arith.constant 0 : i32
      %dma_start3A_463 = tpu.memref_slice %arg2[%dma_start3A_461, %dma_start3A_462] : memref<1000000x32xf32, #tpu.memory_space<hbm>> -> memref<1000000x32xf32, #tpu.memory_space<hbm>>
      tpu.enqueue_indirect_dma source(%dma_start3A_463 : memref<1000000x32xf32, #tpu.memory_space<hbm>>) target(%dma_start3A_458 : memref<128x32xf32, #tpu.memory_space<vmem>>) offsets(%dma_start3A_460 : memref<128xi32, #tpu.memory_space<vmem>>) semaphore(%arg8 : memref<!tpu.dma_semaphore, #tpu.memory_space<semaphore_mem>>)
    }
    %scan3A_104 = arith.constant 99 : i32
    %dma_wait3A = arith.constant 49 : i32
    %dma_wait3A_105 = arith.constant 0 : i32
    %dma_wait3A_106 = arith.constant 0 : i32
    %dma_wait3A_107 = arith.constant 0 : i32
    %dma_wait3A_108 = tpu.memref_slice %arg6[%dma_wait3A_105, %dma_wait3A_106, %dma_wait3A_107] : memref<2x128x32xf32, #tpu.memory_space<vmem>> -> memref<1x128x32xf32, #tpu.memory_space<vmem>>
    %dma_wait3A_109 = tpu.memref_squeeze %dma_wait3A_108 : memref<1x128x32xf32, #tpu.memory_space<vmem>> -> memref<128x32xf32, #tpu.memory_space<vmem>>
    %dma_wait3A_110 = arith.constant 256 : i32
    %dma_wait3A_111 = tpu.memref_slice %arg5[%dma_wait3A, %dma_wait3A_110] : memref<50x512xi32, #tpu.memory_space<vmem>> -> memref<1x128xi32, #tpu.memory_space<vmem>>
    %dma_wait3A_112 = tpu.memref_squeeze %dma_wait3A_111 : memref<1x128xi32, #tpu.memory_space<vmem>> -> memref<128xi32, #tpu.memory_space<vmem>>
    %dma_wait3A_113 = arith.constant 0 : i32
    %dma_wait3A_114 = arith.constant 0 : i32
    %dma_wait3A_115 = tpu.memref_slice %arg2[%dma_wait3A_113, %dma_wait3A_114] : memref<1000000x32xf32, #tpu.memory_space<hbm>> -> memref<1000000x32xf32, #tpu.memory_space<hbm>>
    tpu.wait_indirect_dma semaphore(%arg7 : memref<!tpu.dma_semaphore, #tpu.memory_space<semaphore_mem>>) src(%dma_wait3A_115 : memref<1000000x32xf32, #tpu.memory_space<hbm>>) dst(%dma_wait3A_109 : memref<128x32xf32, #tpu.memory_space<vmem>>)
    %add3A_116 = arith.constant 196 : i32
    %add3A_117 = arith.addi %add3A_116, %select_n3A : i32
    %mul3A_118 = arith.constant 1024 : i32
    %mul3A_119 = arith.muli %add3A_117, %mul3A_118 : i32
    %add3A_120 = arith.addi %mul3A_119, %mul3A_74 : i32
    %add3A_121 = arith.constant 256 : i32
    %add3A_122 = arith.addi %add3A_120, %add3A_121 : i32
    %run_scoped3A = arith.constant 0 : i32
    "tpu.region"() ({
      %run_scoped3A_143 = tpu.sem_alloc : memref<!tpu.dma_semaphore, #tpu.memory_space<semaphore_mem>>
      %dma_start3A_144 = arith.constant 0 : i32
      %dma_start3A_145 = arith.constant 0 : i32
      %dma_start3A_146 = tpu.memref_slice %arg6[%run_scoped3A, %dma_start3A_144, %dma_start3A_145] : memref<2x128x32xf32, #tpu.memory_space<vmem>> -> memref<1x128x32xf32, #tpu.memory_space<vmem>>
      %dma_start3A_147 = tpu.memref_squeeze %dma_start3A_146 : memref<1x128x32xf32, #tpu.memory_space<vmem>> -> memref<128x32xf32, #tpu.memory_space<vmem>>
      %dma_start3A_148 = tpu.memref_slice %arg4[%add3A_122, %mul3A_76] : memref<204800x128xf32, #tpu.memory_space<hbm>> -> memref<128x32xf32, #tpu.memory_space<hbm>>
      %dma_start3A_149 = tpu.memref_slice %arg4[%add3A_122, %mul3A_76] : memref<204800x128xf32, #tpu.memory_space<hbm>> -> memref<128x32xf32, #tpu.memory_space<hbm>>
      %dma_start3A_150 = arith.constant 0 : i32
      %dma_start3A_151 = arith.constant 0 : i32
      %dma_start3A_152 = tpu.memref_slice %arg6[%run_scoped3A, %dma_start3A_150, %dma_start3A_151] : memref<2x128x32xf32, #tpu.memory_space<vmem>> -> memref<1x128x32xf32, #tpu.memory_space<vmem>>
      %dma_start3A_153 = tpu.memref_squeeze %dma_start3A_152 : memref<1x128x32xf32, #tpu.memory_space<vmem>> -> memref<128x32xf32, #tpu.memory_space<vmem>>
      tpu.enqueue_dma source(%dma_start3A_153 : memref<128x32xf32, #tpu.memory_space<vmem>>) target(%dma_start3A_149 : memref<128x32xf32, #tpu.memory_space<hbm>>) target_semaphore(%run_scoped3A_143 : memref<!tpu.dma_semaphore, #tpu.memory_space<semaphore_mem>>)
      %dma_wait3A_154 = arith.constant 0 : i32
      %dma_wait3A_155 = arith.constant 0 : i32
      %dma_wait3A_156 = tpu.memref_slice %arg6[%run_scoped3A, %dma_wait3A_154, %dma_wait3A_155] : memref<2x128x32xf32, #tpu.memory_space<vmem>> -> memref<1x128x32xf32, #tpu.memory_space<vmem>>
      %dma_wait3A_157 = tpu.memref_squeeze %dma_wait3A_156 : memref<1x128x32xf32, #tpu.memory_space<vmem>> -> memref<128x32xf32, #tpu.memory_space<vmem>>
      %dma_wait3A_158 = tpu.memref_slice %arg4[%add3A_122, %mul3A_76] : memref<204800x128xf32, #tpu.memory_space<hbm>> -> memref<128x32xf32, #tpu.memory_space<hbm>>
      %dma_wait3A_159 = tpu.memref_slice %arg4[%add3A_122, %mul3A_76] : memref<204800x128xf32, #tpu.memory_space<hbm>> -> memref<128x32xf32, #tpu.memory_space<hbm>>
      %dma_wait3A_160 = arith.constant 0 : i32
      %dma_wait3A_161 = arith.constant 0 : i32
      %dma_wait3A_162 = tpu.memref_slice %arg6[%run_scoped3A, %dma_wait3A_160, %dma_wait3A_161] : memref<2x128x32xf32, #tpu.memory_space<vmem>> -> memref<1x128x32xf32, #tpu.memory_space<vmem>>
      %dma_wait3A_163 = tpu.memref_squeeze %dma_wait3A_162 : memref<1x128x32xf32, #tpu.memory_space<vmem>> -> memref<128x32xf32, #tpu.memory_space<vmem>>
      tpu.wait_dma2 semaphore(%run_scoped3A_143 : memref<!tpu.dma_semaphore, #tpu.memory_space<semaphore_mem>>) src(%dma_wait3A_163 : memref<128x32xf32, #tpu.memory_space<vmem>>) dst(%dma_wait3A_159 : memref<128x32xf32, #tpu.memory_space<hbm>>)
      tpu.yield
    }) : () -> ()
    %dma_wait3A_123 = arith.constant 49 : i32
    %dma_wait3A_124 = arith.constant 1 : i32
    %dma_wait3A_125 = arith.constant 0 : i32
    %dma_wait3A_126 = arith.constant 0 : i32
    %dma_wait3A_127 = tpu.memref_slice %arg6[%dma_wait3A_124, %dma_wait3A_125, %dma_wait3A_126] : memref<2x128x32xf32, #tpu.memory_space<vmem>> -> memref<1x128x32xf32, #tpu.memory_space<vmem>>
    %dma_wait3A_128 = tpu.memref_squeeze %dma_wait3A_127 : memref<1x128x32xf32, #tpu.memory_space<vmem>> -> memref<128x32xf32, #tpu.memory_space<vmem>>
    %dma_wait3A_129 = arith.constant 384 : i32
    %dma_wait3A_130 = tpu.memref_slice %arg5[%dma_wait3A_123, %dma_wait3A_129] : memref<50x512xi32, #tpu.memory_space<vmem>> -> memref<1x128xi32, #tpu.memory_space<vmem>>
    %dma_wait3A_131 = tpu.memref_squeeze %dma_wait3A_130 : memref<1x128xi32, #tpu.memory_space<vmem>> -> memref<128xi32, #tpu.memory_space<vmem>>
    %dma_wait3A_132 = arith.constant 0 : i32
    %dma_wait3A_133 = arith.constant 0 : i32
    %dma_wait3A_134 = tpu.memref_slice %arg2[%dma_wait3A_132, %dma_wait3A_133] : memref<1000000x32xf32, #tpu.memory_space<hbm>> -> memref<1000000x32xf32, #tpu.memory_space<hbm>>
    tpu.wait_indirect_dma semaphore(%arg8 : memref<!tpu.dma_semaphore, #tpu.memory_space<semaphore_mem>>) src(%dma_wait3A_134 : memref<1000000x32xf32, #tpu.memory_space<hbm>>) dst(%dma_wait3A_128 : memref<128x32xf32, #tpu.memory_space<vmem>>)
    %add3A_135 = arith.constant 196 : i32
    %add3A_136 = arith.addi %add3A_135, %select_n3A : i32
    %mul3A_137 = arith.constant 1024 : i32
    %mul3A_138 = arith.muli %add3A_136, %mul3A_137 : i32
    %add3A_139 = arith.addi %mul3A_138, %mul3A_74 : i32
    %add3A_140 = arith.constant 384 : i32
    %add3A_141 = arith.addi %add3A_139, %add3A_140 : i32
    %run_scoped3A_142 = arith.constant 1 : i32
    "tpu.region"() ({
      %run_scoped3A_143 = tpu.sem_alloc : memref<!tpu.dma_semaphore, #tpu.memory_space<semaphore_mem>>
      %dma_start3A_144 = arith.constant 0 : i32
      %dma_start3A_145 = arith.constant 0 : i32
      %dma_start3A_146 = tpu.memref_slice %arg6[%run_scoped3A_142, %dma_start3A_144, %dma_start3A_145] : memref<2x128x32xf32, #tpu.memory_space<vmem>> -> memref<1x128x32xf32, #tpu.memory_space<vmem>>
      %dma_start3A_147 = tpu.memref_squeeze %dma_start3A_146 : memref<1x128x32xf32, #tpu.memory_space<vmem>> -> memref<128x32xf32, #tpu.memory_space<vmem>>
      %dma_start3A_148 = tpu.memref_slice %arg4[%add3A_141, %mul3A_76] : memref<204800x128xf32, #tpu.memory_space<hbm>> -> memref<128x32xf32, #tpu.memory_space<hbm>>
      %dma_start3A_149 = tpu.memref_slice %arg4[%add3A_141, %mul3A_76] : memref<204800x128xf32, #tpu.memory_space<hbm>> -> memref<128x32xf32, #tpu.memory_space<hbm>>
      %dma_start3A_150 = arith.constant 0 : i32
      %dma_start3A_151 = arith.constant 0 : i32
      %dma_start3A_152 = tpu.memref_slice %arg6[%run_scoped3A_142, %dma_start3A_150, %dma_start3A_151] : memref<2x128x32xf32, #tpu.memory_space<vmem>> -> memref<1x128x32xf32, #tpu.memory_space<vmem>>
      %dma_start3A_153 = tpu.memref_squeeze %dma_start3A_152 : memref<1x128x32xf32, #tpu.memory_space<vmem>> -> memref<128x32xf32, #tpu.memory_space<vmem>>
      tpu.enqueue_dma source(%dma_start3A_153 : memref<128x32xf32, #tpu.memory_space<vmem>>) target(%dma_start3A_149 : memref<128x32xf32, #tpu.memory_space<hbm>>) target_semaphore(%run_scoped3A_143 : memref<!tpu.dma_semaphore, #tpu.memory_space<semaphore_mem>>)
      %dma_wait3A_154 = arith.constant 0 : i32
      %dma_wait3A_155 = arith.constant 0 : i32
      %dma_wait3A_156 = tpu.memref_slice %arg6[%run_scoped3A_142, %dma_wait3A_154, %dma_wait3A_155] : memref<2x128x32xf32, #tpu.memory_space<vmem>> -> memref<1x128x32xf32, #tpu.memory_space<vmem>>
      %dma_wait3A_157 = tpu.memref_squeeze %dma_wait3A_156 : memref<1x128x32xf32, #tpu.memory_space<vmem>> -> memref<128x32xf32, #tpu.memory_space<vmem>>
      %dma_wait3A_158 = tpu.memref_slice %arg4[%add3A_141, %mul3A_76] : memref<204800x128xf32, #tpu.memory_space<hbm>> -> memref<128x32xf32, #tpu.memory_space<hbm>>
      %dma_wait3A_159 = tpu.memref_slice %arg4[%add3A_141, %mul3A_76] : memref<204800x128xf32, #tpu.memory_space<hbm>> -> memref<128x32xf32, #tpu.memory_space<hbm>>
      %dma_wait3A_160 = arith.constant 0 : i32
      %dma_wait3A_161 = arith.constant 0 : i32
      %dma_wait3A_162 = tpu.memref_slice %arg6[%run_scoped3A_142, %dma_wait3A_160, %dma_wait3A_161] : memref<2x128x32xf32, #tpu.memory_space<vmem>> -> memref<1x128x32xf32, #tpu.memory_space<vmem>>
      %dma_wait3A_163 = tpu.memref_squeeze %dma_wait3A_162 : memref<1x128x32xf32, #tpu.memory_space<vmem>> -> memref<128x32xf32, #tpu.memory_space<vmem>>
      tpu.wait_dma2 semaphore(%run_scoped3A_143 : memref<!tpu.dma_semaphore, #tpu.memory_space<semaphore_mem>>) src(%dma_wait3A_163 : memref<128x32xf32, #tpu.memory_space<vmem>>) dst(%dma_wait3A_159 : memref<128x32xf32, #tpu.memory_space<hbm>>)
      tpu.yield
    }) : () -> ()
    return
  }
}

#map = affine_map<(d0, d1) -> (0, 0)>
module attributes {stable_mosaic.version = 14 : i64} {
  func.func @fmt_k(%arg0: i32, %arg1: i32, %arg2: memref<32x1000000xf32, #tpu.memory_space<hbm>>, %arg3: memref<16x128xf32, #tpu.memory_space<hbm>>, %arg4: memref<250000x128xf32, #tpu.memory_space<hbm>>, %arg5: memref<2x32x128xf32, #tpu.memory_space<vmem>>, %arg6: memref<2x32x128xf32, #tpu.memory_space<vmem>>, %arg7: memref<!tpu.dma_semaphore, #tpu.memory_space<semaphore_mem>>, %arg8: memref<!tpu.dma_semaphore, #tpu.memory_space<semaphore_mem>>, %arg9: memref<!tpu.dma_semaphore, #tpu.memory_space<semaphore_mem>>, %arg10: memref<!tpu.dma_semaphore, #tpu.memory_space<semaphore_mem>>) attributes {dimension_semantics = [#tpu.dimension_semantics<core_parallel>, #tpu.dimension_semantics<subcore_parallel>], iteration_bounds = array<i64: 2, 16>, scalar_prefetch = 0 : i64, scratch_operands = 6 : i64, tpu.core_type = #tpu.core_type<sc_vector_subcore>, window_params = [{transform_indices = #map}, {transform_indices = #map}, {transform_indices = #map}]} {
    %mul3A = arith.constant 2 : i32
    %mul3A_0 = arith.muli %arg1, %mul3A : i32
    %add3A = arith.addi %mul3A_0, %arg0 : i32
    %iota3A = tpu.iota {dimensions = array<i32: 0>} : vector<16xi32>
    %lt3A = arith.constant 4 : i32
    %lt3A_1 = arith.cmpi slt, %add3A, %lt3A : i32
    %add3A_2 = arith.constant 0 : i32
    %add3A_3 = arith.addi %add3A, %add3A_2 : i32
    %mul3A_4 = arith.constant 128 : i32
    %mul3A_5 = arith.muli %add3A_3, %mul3A_4 : i32
    %dma_start3A = arith.constant 0 : i32
    %dma_start3A_6 = arith.constant 0 : i32
    %dma_start3A_7 = arith.constant 0 : i32
    %dma_start3A_8 = tpu.memref_slice %arg5[%dma_start3A, %dma_start3A_6, %dma_start3A_7] : memref<2x32x128xf32, #tpu.memory_space<vmem>> -> memref<1x32x128xf32, #tpu.memory_space<vmem>>
    %dma_start3A_9 = tpu.memref_squeeze %dma_start3A_8 : memref<1x32x128xf32, #tpu.memory_space<vmem>> -> memref<32x128xf32, #tpu.memory_space<vmem>>
    %dma_start3A_10 = arith.constant 0 : i32
    %dma_start3A_11 = tpu.memref_slice %arg2[%dma_start3A_10, %mul3A_5] : memref<32x1000000xf32, #tpu.memory_space<hbm>> -> memref<32x128xf32, #tpu.memory_space<hbm>>
    %dma_start3A_12 = arith.constant 0 : i32
    %dma_start3A_13 = arith.constant 0 : i32
    %dma_start3A_14 = tpu.memref_slice %arg5[%dma_start3A, %dma_start3A_12, %dma_start3A_13] : memref<2x32x128xf32, #tpu.memory_space<vmem>> -> memref<1x32x128xf32, #tpu.memory_space<vmem>>
    %dma_start3A_15 = tpu.memref_squeeze %dma_start3A_14 : memref<1x32x128xf32, #tpu.memory_space<vmem>> -> memref<32x128xf32, #tpu.memory_space<vmem>>
    %dma_start3A_16 = arith.constant 0 : i32
    %dma_start3A_17 = tpu.memref_slice %arg2[%dma_start3A_16, %mul3A_5] : memref<32x1000000xf32, #tpu.memory_space<hbm>> -> memref<32x128xf32, #tpu.memory_space<hbm>>
    tpu.enqueue_dma source(%dma_start3A_17 : memref<32x128xf32, #tpu.memory_space<hbm>>) target(%dma_start3A_15 : memref<32x128xf32, #tpu.memory_space<vmem>>) target_semaphore(%arg7 : memref<!tpu.dma_semaphore, #tpu.memory_space<semaphore_mem>>)
    %add3A_18 = arith.constant 32 : i32
    %add3A_19 = arith.addi %add3A, %add3A_18 : i32
    %mul3A_20 = arith.constant 128 : i32
    %mul3A_21 = arith.muli %add3A_19, %mul3A_20 : i32
    %dma_start3A_22 = arith.constant 1 : i32
    %dma_start3A_23 = arith.constant 0 : i32
    %dma_start3A_24 = arith.constant 0 : i32
    %dma_start3A_25 = tpu.memref_slice %arg5[%dma_start3A_22, %dma_start3A_23, %dma_start3A_24] : memref<2x32x128xf32, #tpu.memory_space<vmem>> -> memref<1x32x128xf32, #tpu.memory_space<vmem>>
    %dma_start3A_26 = tpu.memref_squeeze %dma_start3A_25 : memref<1x32x128xf32, #tpu.memory_space<vmem>> -> memref<32x128xf32, #tpu.memory_space<vmem>>
    %dma_start3A_27 = arith.constant 0 : i32
    %dma_start3A_28 = tpu.memref_slice %arg2[%dma_start3A_27, %mul3A_21] : memref<32x1000000xf32, #tpu.memory_space<hbm>> -> memref<32x128xf32, #tpu.memory_space<hbm>>
    %dma_start3A_29 = arith.constant 0 : i32
    %dma_start3A_30 = arith.constant 0 : i32
    %dma_start3A_31 = tpu.memref_slice %arg5[%dma_start3A_22, %dma_start3A_29, %dma_start3A_30] : memref<2x32x128xf32, #tpu.memory_space<vmem>> -> memref<1x32x128xf32, #tpu.memory_space<vmem>>
    %dma_start3A_32 = tpu.memref_squeeze %dma_start3A_31 : memref<1x32x128xf32, #tpu.memory_space<vmem>> -> memref<32x128xf32, #tpu.memory_space<vmem>>
    %dma_start3A_33 = arith.constant 0 : i32
    %dma_start3A_34 = tpu.memref_slice %arg2[%dma_start3A_33, %mul3A_21] : memref<32x1000000xf32, #tpu.memory_space<hbm>> -> memref<32x128xf32, #tpu.memory_space<hbm>>
    tpu.enqueue_dma source(%dma_start3A_34 : memref<32x128xf32, #tpu.memory_space<hbm>>) target(%dma_start3A_32 : memref<32x128xf32, #tpu.memory_space<vmem>>) target_semaphore(%arg8 : memref<!tpu.dma_semaphore, #tpu.memory_space<semaphore_mem>>)
    %scan3A = arith.constant 0 : i32
    %scan3A_35 = arith.constant 0 : i32
    %scan3A_36 = arith.constant 122 : i32
    %scan3A_37 = arith.addi %scan3A_35, %scan3A_36 : i32
    %scan3A_38 = arith.constant 1 : i32
    scf.for %scan3A_74 = %scan3A_35 to %scan3A_37 step %scan3A_38  : i32 {
      %mul3A_75 = arith.constant 2 : i32
      %mul3A_76 = arith.muli %mul3A_75, %scan3A_74 : i32
      %add3A_77 = arith.constant 0 : i32
      %add3A_78 = arith.addi %mul3A_76, %add3A_77 : i32
      %mul3A_79 = arith.constant 32 : i32
      %mul3A_80 = arith.muli %add3A_78, %mul3A_79 : i32
      %add3A_81 = arith.addi %add3A, %mul3A_80 : i32
      %mul3A_82 = arith.constant 128 : i32
      %mul3A_83 = arith.muli %add3A_81, %mul3A_82 : i32
      %dma_wait3A_84 = arith.constant 0 : i32
      %dma_wait3A_85 = arith.constant 0 : i32
      %dma_wait3A_86 = arith.constant 0 : i32
      %dma_wait3A_87 = tpu.memref_slice %arg5[%dma_wait3A_84, %dma_wait3A_85, %dma_wait3A_86] : memref<2x32x128xf32, #tpu.memory_space<vmem>> -> memref<1x32x128xf32, #tpu.memory_space<vmem>>
      %dma_wait3A_88 = tpu.memref_squeeze %dma_wait3A_87 : memref<1x32x128xf32, #tpu.memory_space<vmem>> -> memref<32x128xf32, #tpu.memory_space<vmem>>
      %dma_wait3A_89 = arith.constant 0 : i32
      %dma_wait3A_90 = tpu.memref_slice %arg2[%dma_wait3A_89, %mul3A_83] : memref<32x1000000xf32, #tpu.memory_space<hbm>> -> memref<32x128xf32, #tpu.memory_space<hbm>>
      %dma_wait3A_91 = arith.constant 0 : i32
      %dma_wait3A_92 = arith.constant 0 : i32
      %dma_wait3A_93 = tpu.memref_slice %arg5[%dma_wait3A_84, %dma_wait3A_91, %dma_wait3A_92] : memref<2x32x128xf32, #tpu.memory_space<vmem>> -> memref<1x32x128xf32, #tpu.memory_space<vmem>>
      %dma_wait3A_94 = tpu.memref_squeeze %dma_wait3A_93 : memref<1x32x128xf32, #tpu.memory_space<vmem>> -> memref<32x128xf32, #tpu.memory_space<vmem>>
      %dma_wait3A_95 = arith.constant 0 : i32
      %dma_wait3A_96 = tpu.memref_slice %arg2[%dma_wait3A_95, %mul3A_83] : memref<32x1000000xf32, #tpu.memory_space<hbm>> -> memref<32x128xf32, #tpu.memory_space<hbm>>
      tpu.wait_dma2 semaphore(%arg7 : memref<!tpu.dma_semaphore, #tpu.memory_space<semaphore_mem>>) src(%dma_wait3A_96 : memref<32x128xf32, #tpu.memory_space<hbm>>) dst(%dma_wait3A_94 : memref<32x128xf32, #tpu.memory_space<vmem>>)
      %ge3A = arith.constant 2 : i32
      %ge3A_97 = arith.cmpi sge, %add3A_78, %ge3A : i32
      %convert_element_type3A_98 = arith.extui %ge3A_97 : i1 to i32
      %cond3A_99 = arith.constant 0 : i32
      %cond3A_100 = arith.cmpi ne, %convert_element_type3A_98, %cond3A_99 : i32
      scf.if %cond3A_100 {
        %dma_wait3A_193 = arith.constant 0 : i32
        %dma_wait3A_194 = arith.constant 0 : i32
        %dma_wait3A_195 = arith.constant 0 : i32
        %dma_wait3A_196 = tpu.memref_slice %arg6[%dma_wait3A_193, %dma_wait3A_194, %dma_wait3A_195] : memref<2x32x128xf32, #tpu.memory_space<vmem>> -> memref<1x32x128xf32, #tpu.memory_space<vmem>>
        %dma_wait3A_197 = tpu.memref_squeeze %dma_wait3A_196 : memref<1x32x128xf32, #tpu.memory_space<vmem>> -> memref<32x128xf32, #tpu.memory_space<vmem>>
        %dma_wait3A_198 = arith.constant 0 : i32
        %dma_wait3A_199 = arith.constant 0 : i32
        %dma_wait3A_200 = tpu.memref_slice %arg4[%dma_wait3A_198, %dma_wait3A_199] : memref<250000x128xf32, #tpu.memory_space<hbm>> -> memref<32x128xf32, #tpu.memory_space<hbm>>
        %dma_wait3A_201 = arith.constant 0 : i32
        %dma_wait3A_202 = arith.constant 0 : i32
        %dma_wait3A_203 = tpu.memref_slice %arg4[%dma_wait3A_201, %dma_wait3A_202] : memref<250000x128xf32, #tpu.memory_space<hbm>> -> memref<32x128xf32, #tpu.memory_space<hbm>>
        %dma_wait3A_204 = arith.constant 0 : i32
        %dma_wait3A_205 = arith.constant 0 : i32
        %dma_wait3A_206 = tpu.memref_slice %arg6[%dma_wait3A_193, %dma_wait3A_204, %dma_wait3A_205] : memref<2x32x128xf32, #tpu.memory_space<vmem>> -> memref<1x32x128xf32, #tpu.memory_space<vmem>>
        %dma_wait3A_207 = tpu.memref_squeeze %dma_wait3A_206 : memref<1x32x128xf32, #tpu.memory_space<vmem>> -> memref<32x128xf32, #tpu.memory_space<vmem>>
        tpu.wait_dma2 semaphore(%arg9 : memref<!tpu.dma_semaphore, #tpu.memory_space<semaphore_mem>>) src(%dma_wait3A_207 : memref<32x128xf32, #tpu.memory_space<vmem>>) dst(%dma_wait3A_203 : memref<32x128xf32, #tpu.memory_space<hbm>>)
      } else {
      }
      %parallel_loop3A = arith.constant 0 : i32
      %parallel_loop3A_101 = arith.constant 256 : i32
      %parallel_loop3A_102 = arith.constant 1 : i32
      scf.for %parallel_loop3A_193 = %parallel_loop3A to %parallel_loop3A_101 step %parallel_loop3A_102  : i32 {
        %parallel_loop3A_194 = arith.constant 8 : i32
        %parallel_loop3A_195 = arith.divsi %parallel_loop3A_193, %parallel_loop3A_194 : i32
        %parallel_loop3A_196 = arith.constant 0 : i32
        %parallel_loop3A_197 = arith.cmpi sgt, %parallel_loop3A_193, %parallel_loop3A_196 : i32
        %parallel_loop3A_198 = arith.extui %parallel_loop3A_197 : i1 to i32
        %parallel_loop3A_199 = arith.constant 0 : i32
        %parallel_loop3A_200 = arith.cmpi slt, %parallel_loop3A_193, %parallel_loop3A_199 : i32
        %parallel_loop3A_201 = arith.extui %parallel_loop3A_200 : i1 to i32
        %parallel_loop3A_202 = arith.subi %parallel_loop3A_198, %parallel_loop3A_201 : i32
        %parallel_loop3A_203 = arith.constant 0 : i32
        %parallel_loop3A_204 = arith.cmpi sgt, %parallel_loop3A_194, %parallel_loop3A_203 : i32
        %parallel_loop3A_205 = arith.extui %parallel_loop3A_204 : i1 to i32
        %parallel_loop3A_206 = arith.constant 0 : i32
        %parallel_loop3A_207 = arith.cmpi slt, %parallel_loop3A_194, %parallel_loop3A_206 : i32
        %parallel_loop3A_208 = arith.extui %parallel_loop3A_207 : i1 to i32
        %parallel_loop3A_209 = arith.subi %parallel_loop3A_205, %parallel_loop3A_208 : i32
        %parallel_loop3A_210 = arith.cmpi ne, %parallel_loop3A_202, %parallel_loop3A_209 : i32
        %parallel_loop3A_211 = arith.remsi %parallel_loop3A_193, %parallel_loop3A_194 : i32
        %parallel_loop3A_212 = arith.constant 0 : i32
        %parallel_loop3A_213 = arith.cmpi ne, %parallel_loop3A_211, %parallel_loop3A_212 : i32
        %parallel_loop3A_214 = arith.andi %parallel_loop3A_210, %parallel_loop3A_213 : i1
        %parallel_loop3A_215 = arith.constant 1 : i32
        %parallel_loop3A_216 = arith.subi %parallel_loop3A_195, %parallel_loop3A_215 : i32
        %parallel_loop3A_217 = arith.select %parallel_loop3A_214, %parallel_loop3A_216, %parallel_loop3A_195 : i32
        %parallel_loop3A_218 = arith.constant 8 : i32
        %parallel_loop3A_219 = arith.constant 0 : i32
        %parallel_loop3A_220 = arith.cmpi eq, %parallel_loop3A_218, %parallel_loop3A_219 : i32
        %parallel_loop3A_221 = arith.constant 1 : i32
        %parallel_loop3A_222 = arith.select %parallel_loop3A_220, %parallel_loop3A_221, %parallel_loop3A_218 : i32
        %parallel_loop3A_223 = arith.remsi %parallel_loop3A_193, %parallel_loop3A_222 : i32
        %parallel_loop3A_224 = arith.constant 0 : i32
        %parallel_loop3A_225 = arith.cmpi ne, %parallel_loop3A_223, %parallel_loop3A_224 : i32
        %parallel_loop3A_226 = arith.constant 0 : i32
        %parallel_loop3A_227 = arith.cmpi slt, %parallel_loop3A_223, %parallel_loop3A_226 : i32
        %parallel_loop3A_228 = arith.constant 0 : i32
        %parallel_loop3A_229 = arith.cmpi slt, %parallel_loop3A_222, %parallel_loop3A_228 : i32
        %parallel_loop3A_230 = arith.xori %parallel_loop3A_227, %parallel_loop3A_229 : i1
        %parallel_loop3A_231 = arith.andi %parallel_loop3A_230, %parallel_loop3A_225 : i1
        %parallel_loop3A_232 = arith.addi %parallel_loop3A_223, %parallel_loop3A_222 : i32
        %parallel_loop3A_233 = arith.select %parallel_loop3A_231, %parallel_loop3A_232, %parallel_loop3A_223 : i32
        %parallel_loop3A_234 = arith.constant 2 : i32
        %parallel_loop3A_235 = arith.constant 0 : i32
        %parallel_loop3A_236 = arith.cmpi eq, %parallel_loop3A_234, %parallel_loop3A_235 : i32
        %parallel_loop3A_237 = arith.constant 1 : i32
        %parallel_loop3A_238 = arith.select %parallel_loop3A_236, %parallel_loop3A_237, %parallel_loop3A_234 : i32
        %parallel_loop3A_239 = arith.remsi %parallel_loop3A_233, %parallel_loop3A_238 : i32
        %parallel_loop3A_240 = arith.constant 0 : i32
        %parallel_loop3A_241 = arith.cmpi ne, %parallel_loop3A_239, %parallel_loop3A_240 : i32
        %parallel_loop3A_242 = arith.constant 0 : i32
        %parallel_loop3A_243 = arith.cmpi slt, %parallel_loop3A_239, %parallel_loop3A_242 : i32
        %parallel_loop3A_244 = arith.constant 0 : i32
        %parallel_loop3A_245 = arith.cmpi slt, %parallel_loop3A_238, %parallel_loop3A_244 : i32
        %parallel_loop3A_246 = arith.xori %parallel_loop3A_243, %parallel_loop3A_245 : i1
        %parallel_loop3A_247 = arith.andi %parallel_loop3A_246, %parallel_loop3A_241 : i1
        %parallel_loop3A_248 = arith.addi %parallel_loop3A_239, %parallel_loop3A_238 : i32
        %parallel_loop3A_249 = arith.select %parallel_loop3A_247, %parallel_loop3A_248, %parallel_loop3A_239 : i32
        %parallel_loop3A_250 = arith.constant 16 : i32
        %parallel_loop3A_251 = arith.muli %parallel_loop3A_249, %parallel_loop3A_250 : i32
        %parallel_loop3A_252 = vector.broadcast %parallel_loop3A_251 : i32 to vector<16xi32>
        %parallel_loop3A_253 = arith.addi %iota3A, %parallel_loop3A_252 : vector<16xi32>
        %parallel_loop3A_254 = arith.constant 4 : i32
        %parallel_loop3A_255 = arith.muli %parallel_loop3A_254, %parallel_loop3A_217 : i32
        %parallel_loop3A_256 = arith.constant 2 : i32
        %parallel_loop3A_257 = arith.divsi %parallel_loop3A_233, %parallel_loop3A_256 : i32
        %parallel_loop3A_258 = arith.constant 0 : i32
        %parallel_loop3A_259 = arith.cmpi sgt, %parallel_loop3A_233, %parallel_loop3A_258 : i32
        %parallel_loop3A_260 = arith.extui %parallel_loop3A_259 : i1 to i32
        %parallel_loop3A_261 = arith.constant 0 : i32
        %parallel_loop3A_262 = arith.cmpi slt, %parallel_loop3A_233, %parallel_loop3A_261 : i32
        %parallel_loop3A_263 = arith.extui %parallel_loop3A_262 : i1 to i32
        %parallel_loop3A_264 = arith.subi %parallel_loop3A_260, %parallel_loop3A_263 : i32
        %parallel_loop3A_265 = arith.constant 0 : i32
        %parallel_loop3A_266 = arith.cmpi sgt, %parallel_loop3A_256, %parallel_loop3A_265 : i32
        %parallel_loop3A_267 = arith.extui %parallel_loop3A_266 : i1 to i32
        %parallel_loop3A_268 = arith.constant 0 : i32
        %parallel_loop3A_269 = arith.cmpi slt, %parallel_loop3A_256, %parallel_loop3A_268 : i32
        %parallel_loop3A_270 = arith.extui %parallel_loop3A_269 : i1 to i32
        %parallel_loop3A_271 = arith.subi %parallel_loop3A_267, %parallel_loop3A_270 : i32
        %parallel_loop3A_272 = arith.cmpi ne, %parallel_loop3A_264, %parallel_loop3A_271 : i32
        %parallel_loop3A_273 = arith.remsi %parallel_loop3A_233, %parallel_loop3A_256 : i32
        %parallel_loop3A_274 = arith.constant 0 : i32
        %parallel_loop3A_275 = arith.cmpi ne, %parallel_loop3A_273, %parallel_loop3A_274 : i32
        %parallel_loop3A_276 = arith.andi %parallel_loop3A_272, %parallel_loop3A_275 : i1
        %parallel_loop3A_277 = arith.constant 1 : i32
        %parallel_loop3A_278 = arith.subi %parallel_loop3A_257, %parallel_loop3A_277 : i32
        %parallel_loop3A_279 = arith.select %parallel_loop3A_276, %parallel_loop3A_278, %parallel_loop3A_257 : i32
        %parallel_loop3A_280 = arith.addi %parallel_loop3A_255, %parallel_loop3A_279 : i32
        %parallel_loop3A_281 = vector.broadcast %parallel_loop3A_280 : i32 to vector<16xi32>
        %parallel_loop3A_282 = arith.constant 0 : i32
        %parallel_loop3A_283 = arith.constant 0 : i32
        %parallel_loop3A_284 = arith.constant 0 : i32
        %parallel_loop3A_285 = tpu.memref_slice %arg5[%parallel_loop3A_282, %parallel_loop3A_283, %parallel_loop3A_284] : memref<2x32x128xf32, #tpu.memory_space<vmem>> -> memref<1x32x128xf32, #tpu.memory_space<vmem>>
        %parallel_loop3A_286 = tpu.memref_squeeze %parallel_loop3A_285 : memref<1x32x128xf32, #tpu.memory_space<vmem>> -> memref<32x128xf32, #tpu.memory_space<vmem>>
        %parallel_loop3A_287 = tpu.vector_load_idx %parallel_loop3A_286[%parallel_loop3A_253, %parallel_loop3A_281] : memref<32x128xf32, #tpu.memory_space<vmem>>[vector<16xi32>, vector<16xi32>], vector<16xf32>,
        %parallel_loop3A_288 = arith.constant 16 : i32
        %parallel_loop3A_289 = arith.muli %parallel_loop3A_233, %parallel_loop3A_288 : i32
        %parallel_loop3A_290 = arith.constant 0 : i32
        %parallel_loop3A_291 = arith.index_cast %parallel_loop3A_290 : i32 to index
        %parallel_loop3A_292 = arith.index_cast %parallel_loop3A_217 : i32 to index
        %parallel_loop3A_293 = arith.index_cast %parallel_loop3A_289 : i32 to index
        %parallel_loop3A_294 = tpu.vector_load %arg6[%parallel_loop3A_291, %parallel_loop3A_292, %parallel_loop3A_293] {strides = array<i32>} : memref<2x32x128xf32, #tpu.memory_space<vmem>>, vector<16xf32>,
        tpu.vector_store %arg6[%parallel_loop3A_291, %parallel_loop3A_292, %parallel_loop3A_293], %parallel_loop3A_287 {strides = array<i32>} : memref<2x32x128xf32, #tpu.memory_space<vmem>>, vector<16xf32>,
      } {sc.loop_unroll_factor = 8 : i64, sc.parallel_access}
      %add3A_103 = arith.constant 2 : i32
      %add3A_104 = arith.addi %add3A_78, %add3A_103 : i32
      %lt3A_105 = arith.constant 244 : i32
      %lt3A_106 = arith.cmpi slt, %add3A_104, %lt3A_105 : i32
      %add3A_107 = arith.constant 2 : i32
      %add3A_108 = arith.addi %add3A_78, %add3A_107 : i32
      %eq3A_109 = arith.constant 244 : i32
      %eq3A_110 = arith.cmpi eq, %add3A_108, %eq3A_109 : i32
      %and3A = arith.andi %eq3A_110, %lt3A_1 : i1
      %or3A = arith.ori %lt3A_106, %and3A : i1
      %convert_element_type3A_111 = arith.extui %or3A : i1 to i32
      %cond3A_112 = arith.constant 0 : i32
      %cond3A_113 = arith.cmpi ne, %convert_element_type3A_111, %cond3A_112 : i32
      scf.if %cond3A_113 {
        %add3A_193 = arith.constant 2 : i32
        %add3A_194 = arith.addi %add3A_78, %add3A_193 : i32
        %mul3A_195 = arith.constant 32 : i32
        %mul3A_196 = arith.muli %add3A_194, %mul3A_195 : i32
        %add3A_197 = arith.addi %add3A, %mul3A_196 : i32
        %mul3A_198 = arith.constant 128 : i32
        %mul3A_199 = arith.muli %add3A_197, %mul3A_198 : i32
        %dma_start3A_200 = arith.constant 0 : i32
        %dma_start3A_201 = arith.constant 0 : i32
        %dma_start3A_202 = arith.constant 0 : i32
        %dma_start3A_203 = tpu.memref_slice %arg5[%dma_start3A_200, %dma_start3A_201, %dma_start3A_202] : memref<2x32x128xf32, #tpu.memory_space<vmem>> -> memref<1x32x128xf32, #tpu.memory_space<vmem>>
        %dma_start3A_204 = tpu.memref_squeeze %dma_start3A_203 : memref<1x32x128xf32, #tpu.memory_space<vmem>> -> memref<32x128xf32, #tpu.memory_space<vmem>>
        %dma_start3A_205 = arith.constant 0 : i32
        %dma_start3A_206 = tpu.memref_slice %arg2[%dma_start3A_205, %mul3A_199] : memref<32x1000000xf32, #tpu.memory_space<hbm>> -> memref<32x128xf32, #tpu.memory_space<hbm>>
        %dma_start3A_207 = arith.constant 0 : i32
        %dma_start3A_208 = arith.constant 0 : i32
        %dma_start3A_209 = tpu.memref_slice %arg5[%dma_start3A_200, %dma_start3A_207, %dma_start3A_208] : memref<2x32x128xf32, #tpu.memory_space<vmem>> -> memref<1x32x128xf32, #tpu.memory_space<vmem>>
        %dma_start3A_210 = tpu.memref_squeeze %dma_start3A_209 : memref<1x32x128xf32, #tpu.memory_space<vmem>> -> memref<32x128xf32, #tpu.memory_space<vmem>>
        %dma_start3A_211 = arith.constant 0 : i32
        %dma_start3A_212 = tpu.memref_slice %arg2[%dma_start3A_211, %mul3A_199] : memref<32x1000000xf32, #tpu.memory_space<hbm>> -> memref<32x128xf32, #tpu.memory_space<hbm>>
        tpu.enqueue_dma source(%dma_start3A_212 : memref<32x128xf32, #tpu.memory_space<hbm>>) target(%dma_start3A_210 : memref<32x128xf32, #tpu.memory_space<vmem>>) target_semaphore(%arg7 : memref<!tpu.dma_semaphore, #tpu.memory_space<semaphore_mem>>)
      } else {
      }
      %mul3A_114 = arith.constant 32 : i32
      %mul3A_115 = arith.muli %add3A_78, %mul3A_114 : i32
      %add3A_116 = arith.addi %add3A, %mul3A_115 : i32
      %mul3A_117 = arith.constant 32 : i32
      %mul3A_118 = arith.muli %add3A_116, %mul3A_117 : i32
      %dma_start3A_119 = arith.constant 0 : i32
      %dma_start3A_120 = arith.constant 0 : i32
      %dma_start3A_121 = arith.constant 0 : i32
      %dma_start3A_122 = tpu.memref_slice %arg6[%dma_start3A_119, %dma_start3A_120, %dma_start3A_121] : memref<2x32x128xf32, #tpu.memory_space<vmem>> -> memref<1x32x128xf32, #tpu.memory_space<vmem>>
      %dma_start3A_123 = tpu.memref_squeeze %dma_start3A_122 : memref<1x32x128xf32, #tpu.memory_space<vmem>> -> memref<32x128xf32, #tpu.memory_space<vmem>>
      %dma_start3A_124 = arith.constant 0 : i32
      %dma_start3A_125 = tpu.memref_slice %arg4[%mul3A_118, %dma_start3A_124] : memref<250000x128xf32, #tpu.memory_space<hbm>> -> memref<32x128xf32, #tpu.memory_space<hbm>>
      %dma_start3A_126 = arith.constant 0 : i32
      %dma_start3A_127 = tpu.memref_slice %arg4[%mul3A_118, %dma_start3A_126] : memref<250000x128xf32, #tpu.memory_space<hbm>> -> memref<32x128xf32, #tpu.memory_space<hbm>>
      %dma_start3A_128 = arith.constant 0 : i32
      %dma_start3A_129 = arith.constant 0 : i32
      %dma_start3A_130 = tpu.memref_slice %arg6[%dma_start3A_119, %dma_start3A_128, %dma_start3A_129] : memref<2x32x128xf32, #tpu.memory_space<vmem>> -> memref<1x32x128xf32, #tpu.memory_space<vmem>>
      %dma_start3A_131 = tpu.memref_squeeze %dma_start3A_130 : memref<1x32x128xf32, #tpu.memory_space<vmem>> -> memref<32x128xf32, #tpu.memory_space<vmem>>
      tpu.enqueue_dma source(%dma_start3A_131 : memref<32x128xf32, #tpu.memory_space<vmem>>) target(%dma_start3A_127 : memref<32x128xf32, #tpu.memory_space<hbm>>) target_semaphore(%arg9 : memref<!tpu.dma_semaphore, #tpu.memory_space<semaphore_mem>>)
      %mul3A_132 = arith.constant 2 : i32
      %mul3A_133 = arith.muli %mul3A_132, %scan3A_74 : i32
      %add3A_134 = arith.constant 1 : i32
      %add3A_135 = arith.addi %mul3A_133, %add3A_134 : i32
      %mul3A_136 = arith.constant 32 : i32
      %mul3A_137 = arith.muli %add3A_135, %mul3A_136 : i32
      %add3A_138 = arith.addi %add3A, %mul3A_137 : i32
      %mul3A_139 = arith.constant 128 : i32
      %mul3A_140 = arith.muli %add3A_138, %mul3A_139 : i32
      %dma_wait3A_141 = arith.constant 1 : i32
      %dma_wait3A_142 = arith.constant 0 : i32
      %dma_wait3A_143 = arith.constant 0 : i32
      %dma_wait3A_144 = tpu.memref_slice %arg5[%dma_wait3A_141, %dma_wait3A_142, %dma_wait3A_143] : memref<2x32x128xf32, #tpu.memory_space<vmem>> -> memref<1x32x128xf32, #tpu.memory_space<vmem>>
      %dma_wait3A_145 = tpu.memref_squeeze %dma_wait3A_144 : memref<1x32x128xf32, #tpu.memory_space<vmem>> -> memref<32x128xf32, #tpu.memory_space<vmem>>
      %dma_wait3A_146 = arith.constant 0 : i32
      %dma_wait3A_147 = tpu.memref_slice %arg2[%dma_wait3A_146, %mul3A_140] : memref<32x1000000xf32, #tpu.memory_space<hbm>> -> memref<32x128xf32, #tpu.memory_space<hbm>>
      %dma_wait3A_148 = arith.constant 0 : i32
      %dma_wait3A_149 = arith.constant 0 : i32
      %dma_wait3A_150 = tpu.memref_slice %arg5[%dma_wait3A_141, %dma_wait3A_148, %dma_wait3A_149] : memref<2x32x128xf32, #tpu.memory_space<vmem>> -> memref<1x32x128xf32, #tpu.memory_space<vmem>>
      %dma_wait3A_151 = tpu.memref_squeeze %dma_wait3A_150 : memref<1x32x128xf32, #tpu.memory_space<vmem>> -> memref<32x128xf32, #tpu.memory_space<vmem>>
      %dma_wait3A_152 = arith.constant 0 : i32
      %dma_wait3A_153 = tpu.memref_slice %arg2[%dma_wait3A_152, %mul3A_140] : memref<32x1000000xf32, #tpu.memory_space<hbm>> -> memref<32x128xf32, #tpu.memory_space<hbm>>
      tpu.wait_dma2 semaphore(%arg8 : memref<!tpu.dma_semaphore, #tpu.memory_space<semaphore_mem>>) src(%dma_wait3A_153 : memref<32x128xf32, #tpu.memory_space<hbm>>) dst(%dma_wait3A_151 : memref<32x128xf32, #tpu.memory_space<vmem>>)
      %ge3A_154 = arith.constant 2 : i32
      %ge3A_155 = arith.cmpi sge, %add3A_135, %ge3A_154 : i32
      %convert_element_type3A_156 = arith.extui %ge3A_155 : i1 to i32
      %cond3A_157 = arith.constant 0 : i32
      %cond3A_158 = arith.cmpi ne, %convert_element_type3A_156, %cond3A_157 : i32
      scf.if %cond3A_158 {
        %dma_wait3A_193 = arith.constant 1 : i32
        %dma_wait3A_194 = arith.constant 0 : i32
        %dma_wait3A_195 = arith.constant 0 : i32
        %dma_wait3A_196 = tpu.memref_slice %arg6[%dma_wait3A_193, %dma_wait3A_194, %dma_wait3A_195] : memref<2x32x128xf32, #tpu.memory_space<vmem>> -> memref<1x32x128xf32, #tpu.memory_space<vmem>>
        %dma_wait3A_197 = tpu.memref_squeeze %dma_wait3A_196 : memref<1x32x128xf32, #tpu.memory_space<vmem>> -> memref<32x128xf32, #tpu.memory_space<vmem>>
        %dma_wait3A_198 = arith.constant 0 : i32
        %dma_wait3A_199 = arith.constant 0 : i32
        %dma_wait3A_200 = tpu.memref_slice %arg4[%dma_wait3A_198, %dma_wait3A_199] : memref<250000x128xf32, #tpu.memory_space<hbm>> -> memref<32x128xf32, #tpu.memory_space<hbm>>
        %dma_wait3A_201 = arith.constant 0 : i32
        %dma_wait3A_202 = arith.constant 0 : i32
        %dma_wait3A_203 = tpu.memref_slice %arg4[%dma_wait3A_201, %dma_wait3A_202] : memref<250000x128xf32, #tpu.memory_space<hbm>> -> memref<32x128xf32, #tpu.memory_space<hbm>>
        %dma_wait3A_204 = arith.constant 0 : i32
        %dma_wait3A_205 = arith.constant 0 : i32
        %dma_wait3A_206 = tpu.memref_slice %arg6[%dma_wait3A_193, %dma_wait3A_204, %dma_wait3A_205] : memref<2x32x128xf32, #tpu.memory_space<vmem>> -> memref<1x32x128xf32, #tpu.memory_space<vmem>>
        %dma_wait3A_207 = tpu.memref_squeeze %dma_wait3A_206 : memref<1x32x128xf32, #tpu.memory_space<vmem>> -> memref<32x128xf32, #tpu.memory_space<vmem>>
        tpu.wait_dma2 semaphore(%arg10 : memref<!tpu.dma_semaphore, #tpu.memory_space<semaphore_mem>>) src(%dma_wait3A_207 : memref<32x128xf32, #tpu.memory_space<vmem>>) dst(%dma_wait3A_203 : memref<32x128xf32, #tpu.memory_space<hbm>>)
      } else {
      }
      %parallel_loop3A_159 = arith.constant 0 : i32
      %parallel_loop3A_160 = arith.constant 256 : i32
      %parallel_loop3A_161 = arith.constant 1 : i32
      scf.for %parallel_loop3A_193 = %parallel_loop3A_159 to %parallel_loop3A_160 step %parallel_loop3A_161  : i32 {
        %parallel_loop3A_194 = arith.constant 8 : i32
        %parallel_loop3A_195 = arith.divsi %parallel_loop3A_193, %parallel_loop3A_194 : i32
        %parallel_loop3A_196 = arith.constant 0 : i32
        %parallel_loop3A_197 = arith.cmpi sgt, %parallel_loop3A_193, %parallel_loop3A_196 : i32
        %parallel_loop3A_198 = arith.extui %parallel_loop3A_197 : i1 to i32
        %parallel_loop3A_199 = arith.constant 0 : i32
        %parallel_loop3A_200 = arith.cmpi slt, %parallel_loop3A_193, %parallel_loop3A_199 : i32
        %parallel_loop3A_201 = arith.extui %parallel_loop3A_200 : i1 to i32
        %parallel_loop3A_202 = arith.subi %parallel_loop3A_198, %parallel_loop3A_201 : i32
        %parallel_loop3A_203 = arith.constant 0 : i32
        %parallel_loop3A_204 = arith.cmpi sgt, %parallel_loop3A_194, %parallel_loop3A_203 : i32
        %parallel_loop3A_205 = arith.extui %parallel_loop3A_204 : i1 to i32
        %parallel_loop3A_206 = arith.constant 0 : i32
        %parallel_loop3A_207 = arith.cmpi slt, %parallel_loop3A_194, %parallel_loop3A_206 : i32
        %parallel_loop3A_208 = arith.extui %parallel_loop3A_207 : i1 to i32
        %parallel_loop3A_209 = arith.subi %parallel_loop3A_205, %parallel_loop3A_208 : i32
        %parallel_loop3A_210 = arith.cmpi ne, %parallel_loop3A_202, %parallel_loop3A_209 : i32
        %parallel_loop3A_211 = arith.remsi %parallel_loop3A_193, %parallel_loop3A_194 : i32
        %parallel_loop3A_212 = arith.constant 0 : i32
        %parallel_loop3A_213 = arith.cmpi ne, %parallel_loop3A_211, %parallel_loop3A_212 : i32
        %parallel_loop3A_214 = arith.andi %parallel_loop3A_210, %parallel_loop3A_213 : i1
        %parallel_loop3A_215 = arith.constant 1 : i32
        %parallel_loop3A_216 = arith.subi %parallel_loop3A_195, %parallel_loop3A_215 : i32
        %parallel_loop3A_217 = arith.select %parallel_loop3A_214, %parallel_loop3A_216, %parallel_loop3A_195 : i32
        %parallel_loop3A_218 = arith.constant 8 : i32
        %parallel_loop3A_219 = arith.constant 0 : i32
        %parallel_loop3A_220 = arith.cmpi eq, %parallel_loop3A_218, %parallel_loop3A_219 : i32
        %parallel_loop3A_221 = arith.constant 1 : i32
        %parallel_loop3A_222 = arith.select %parallel_loop3A_220, %parallel_loop3A_221, %parallel_loop3A_218 : i32
        %parallel_loop3A_223 = arith.remsi %parallel_loop3A_193, %parallel_loop3A_222 : i32
        %parallel_loop3A_224 = arith.constant 0 : i32
        %parallel_loop3A_225 = arith.cmpi ne, %parallel_loop3A_223, %parallel_loop3A_224 : i32
        %parallel_loop3A_226 = arith.constant 0 : i32
        %parallel_loop3A_227 = arith.cmpi slt, %parallel_loop3A_223, %parallel_loop3A_226 : i32
        %parallel_loop3A_228 = arith.constant 0 : i32
        %parallel_loop3A_229 = arith.cmpi slt, %parallel_loop3A_222, %parallel_loop3A_228 : i32
        %parallel_loop3A_230 = arith.xori %parallel_loop3A_227, %parallel_loop3A_229 : i1
        %parallel_loop3A_231 = arith.andi %parallel_loop3A_230, %parallel_loop3A_225 : i1
        %parallel_loop3A_232 = arith.addi %parallel_loop3A_223, %parallel_loop3A_222 : i32
        %parallel_loop3A_233 = arith.select %parallel_loop3A_231, %parallel_loop3A_232, %parallel_loop3A_223 : i32
        %parallel_loop3A_234 = arith.constant 2 : i32
        %parallel_loop3A_235 = arith.constant 0 : i32
        %parallel_loop3A_236 = arith.cmpi eq, %parallel_loop3A_234, %parallel_loop3A_235 : i32
        %parallel_loop3A_237 = arith.constant 1 : i32
        %parallel_loop3A_238 = arith.select %parallel_loop3A_236, %parallel_loop3A_237, %parallel_loop3A_234 : i32
        %parallel_loop3A_239 = arith.remsi %parallel_loop3A_233, %parallel_loop3A_238 : i32
        %parallel_loop3A_240 = arith.constant 0 : i32
        %parallel_loop3A_241 = arith.cmpi ne, %parallel_loop3A_239, %parallel_loop3A_240 : i32
        %parallel_loop3A_242 = arith.constant 0 : i32
        %parallel_loop3A_243 = arith.cmpi slt, %parallel_loop3A_239, %parallel_loop3A_242 : i32
        %parallel_loop3A_244 = arith.constant 0 : i32
        %parallel_loop3A_245 = arith.cmpi slt, %parallel_loop3A_238, %parallel_loop3A_244 : i32
        %parallel_loop3A_246 = arith.xori %parallel_loop3A_243, %parallel_loop3A_245 : i1
        %parallel_loop3A_247 = arith.andi %parallel_loop3A_246, %parallel_loop3A_241 : i1
        %parallel_loop3A_248 = arith.addi %parallel_loop3A_239, %parallel_loop3A_238 : i32
        %parallel_loop3A_249 = arith.select %parallel_loop3A_247, %parallel_loop3A_248, %parallel_loop3A_239 : i32
        %parallel_loop3A_250 = arith.constant 16 : i32
        %parallel_loop3A_251 = arith.muli %parallel_loop3A_249, %parallel_loop3A_250 : i32
        %parallel_loop3A_252 = vector.broadcast %parallel_loop3A_251 : i32 to vector<16xi32>
        %parallel_loop3A_253 = arith.addi %iota3A, %parallel_loop3A_252 : vector<16xi32>
        %parallel_loop3A_254 = arith.constant 4 : i32
        %parallel_loop3A_255 = arith.muli %parallel_loop3A_254, %parallel_loop3A_217 : i32
        %parallel_loop3A_256 = arith.constant 2 : i32
        %parallel_loop3A_257 = arith.divsi %parallel_loop3A_233, %parallel_loop3A_256 : i32
        %parallel_loop3A_258 = arith.constant 0 : i32
        %parallel_loop3A_259 = arith.cmpi sgt, %parallel_loop3A_233, %parallel_loop3A_258 : i32
        %parallel_loop3A_260 = arith.extui %parallel_loop3A_259 : i1 to i32
        %parallel_loop3A_261 = arith.constant 0 : i32
        %parallel_loop3A_262 = arith.cmpi slt, %parallel_loop3A_233, %parallel_loop3A_261 : i32
        %parallel_loop3A_263 = arith.extui %parallel_loop3A_262 : i1 to i32
        %parallel_loop3A_264 = arith.subi %parallel_loop3A_260, %parallel_loop3A_263 : i32
        %parallel_loop3A_265 = arith.constant 0 : i32
        %parallel_loop3A_266 = arith.cmpi sgt, %parallel_loop3A_256, %parallel_loop3A_265 : i32
        %parallel_loop3A_267 = arith.extui %parallel_loop3A_266 : i1 to i32
        %parallel_loop3A_268 = arith.constant 0 : i32
        %parallel_loop3A_269 = arith.cmpi slt, %parallel_loop3A_256, %parallel_loop3A_268 : i32
        %parallel_loop3A_270 = arith.extui %parallel_loop3A_269 : i1 to i32
        %parallel_loop3A_271 = arith.subi %parallel_loop3A_267, %parallel_loop3A_270 : i32
        %parallel_loop3A_272 = arith.cmpi ne, %parallel_loop3A_264, %parallel_loop3A_271 : i32
        %parallel_loop3A_273 = arith.remsi %parallel_loop3A_233, %parallel_loop3A_256 : i32
        %parallel_loop3A_274 = arith.constant 0 : i32
        %parallel_loop3A_275 = arith.cmpi ne, %parallel_loop3A_273, %parallel_loop3A_274 : i32
        %parallel_loop3A_276 = arith.andi %parallel_loop3A_272, %parallel_loop3A_275 : i1
        %parallel_loop3A_277 = arith.constant 1 : i32
        %parallel_loop3A_278 = arith.subi %parallel_loop3A_257, %parallel_loop3A_277 : i32
        %parallel_loop3A_279 = arith.select %parallel_loop3A_276, %parallel_loop3A_278, %parallel_loop3A_257 : i32
        %parallel_loop3A_280 = arith.addi %parallel_loop3A_255, %parallel_loop3A_279 : i32
        %parallel_loop3A_281 = vector.broadcast %parallel_loop3A_280 : i32 to vector<16xi32>
        %parallel_loop3A_282 = arith.constant 1 : i32
        %parallel_loop3A_283 = arith.constant 0 : i32
        %parallel_loop3A_284 = arith.constant 0 : i32
        %parallel_loop3A_285 = tpu.memref_slice %arg5[%parallel_loop3A_282, %parallel_loop3A_283, %parallel_loop3A_284] : memref<2x32x128xf32, #tpu.memory_space<vmem>> -> memref<1x32x128xf32, #tpu.memory_space<vmem>>
        %parallel_loop3A_286 = tpu.memref_squeeze %parallel_loop3A_285 : memref<1x32x128xf32, #tpu.memory_space<vmem>> -> memref<32x128xf32, #tpu.memory_space<vmem>>
        %parallel_loop3A_287 = tpu.vector_load_idx %parallel_loop3A_286[%parallel_loop3A_253, %parallel_loop3A_281] : memref<32x128xf32, #tpu.memory_space<vmem>>[vector<16xi32>, vector<16xi32>], vector<16xf32>,
        %parallel_loop3A_288 = arith.constant 16 : i32
        %parallel_loop3A_289 = arith.muli %parallel_loop3A_233, %parallel_loop3A_288 : i32
        %parallel_loop3A_290 = arith.constant 1 : i32
        %parallel_loop3A_291 = arith.index_cast %parallel_loop3A_290 : i32 to index
        %parallel_loop3A_292 = arith.index_cast %parallel_loop3A_217 : i32 to index
        %parallel_loop3A_293 = arith.index_cast %parallel_loop3A_289 : i32 to index
        %parallel_loop3A_294 = tpu.vector_load %arg6[%parallel_loop3A_291, %parallel_loop3A_292, %parallel_loop3A_293] {strides = array<i32>} : memref<2x32x128xf32, #tpu.memory_space<vmem>>, vector<16xf32>,
        tpu.vector_store %arg6[%parallel_loop3A_291, %parallel_loop3A_292, %parallel_loop3A_293], %parallel_loop3A_287 {strides = array<i32>} : memref<2x32x128xf32, #tpu.memory_space<vmem>>, vector<16xf32>,
      } {sc.loop_unroll_factor = 8 : i64, sc.parallel_access}
      %add3A_162 = arith.constant 2 : i32
      %add3A_163 = arith.addi %add3A_135, %add3A_162 : i32
      %lt3A_164 = arith.constant 244 : i32
      %lt3A_165 = arith.cmpi slt, %add3A_163, %lt3A_164 : i32
      %add3A_166 = arith.constant 2 : i32
      %add3A_167 = arith.addi %add3A_135, %add3A_166 : i32
      %eq3A_168 = arith.constant 244 : i32
      %eq3A_169 = arith.cmpi eq, %add3A_167, %eq3A_168 : i32
      %and3A_170 = arith.andi %eq3A_169, %lt3A_1 : i1
      %or3A_171 = arith.ori %lt3A_165, %and3A_170 : i1
      %convert_element_type3A_172 = arith.extui %or3A_171 : i1 to i32
      %cond3A_173 = arith.constant 0 : i32
      %cond3A_174 = arith.cmpi ne, %convert_element_type3A_172, %cond3A_173 : i32
      scf.if %cond3A_174 {
        %add3A_193 = arith.constant 2 : i32
        %add3A_194 = arith.addi %add3A_135, %add3A_193 : i32
        %mul3A_195 = arith.constant 32 : i32
        %mul3A_196 = arith.muli %add3A_194, %mul3A_195 : i32
        %add3A_197 = arith.addi %add3A, %mul3A_196 : i32
        %mul3A_198 = arith.constant 128 : i32
        %mul3A_199 = arith.muli %add3A_197, %mul3A_198 : i32
        %dma_start3A_200 = arith.constant 1 : i32
        %dma_start3A_201 = arith.constant 0 : i32
        %dma_start3A_202 = arith.constant 0 : i32
        %dma_start3A_203 = tpu.memref_slice %arg5[%dma_start3A_200, %dma_start3A_201, %dma_start3A_202] : memref<2x32x128xf32, #tpu.memory_space<vmem>> -> memref<1x32x128xf32, #tpu.memory_space<vmem>>
        %dma_start3A_204 = tpu.memref_squeeze %dma_start3A_203 : memref<1x32x128xf32, #tpu.memory_space<vmem>> -> memref<32x128xf32, #tpu.memory_space<vmem>>
        %dma_start3A_205 = arith.constant 0 : i32
        %dma_start3A_206 = tpu.memref_slice %arg2[%dma_start3A_205, %mul3A_199] : memref<32x1000000xf32, #tpu.memory_space<hbm>> -> memref<32x128xf32, #tpu.memory_space<hbm>>
        %dma_start3A_207 = arith.constant 0 : i32
        %dma_start3A_208 = arith.constant 0 : i32
        %dma_start3A_209 = tpu.memref_slice %arg5[%dma_start3A_200, %dma_start3A_207, %dma_start3A_208] : memref<2x32x128xf32, #tpu.memory_space<vmem>> -> memref<1x32x128xf32, #tpu.memory_space<vmem>>
        %dma_start3A_210 = tpu.memref_squeeze %dma_start3A_209 : memref<1x32x128xf32, #tpu.memory_space<vmem>> -> memref<32x128xf32, #tpu.memory_space<vmem>>
        %dma_start3A_211 = arith.constant 0 : i32
        %dma_start3A_212 = tpu.memref_slice %arg2[%dma_start3A_211, %mul3A_199] : memref<32x1000000xf32, #tpu.memory_space<hbm>> -> memref<32x128xf32, #tpu.memory_space<hbm>>
        tpu.enqueue_dma source(%dma_start3A_212 : memref<32x128xf32, #tpu.memory_space<hbm>>) target(%dma_start3A_210 : memref<32x128xf32, #tpu.memory_space<vmem>>) target_semaphore(%arg8 : memref<!tpu.dma_semaphore, #tpu.memory_space<semaphore_mem>>)
      } else {
      }
      %mul3A_175 = arith.constant 32 : i32
      %mul3A_176 = arith.muli %add3A_135, %mul3A_175 : i32
      %add3A_177 = arith.addi %add3A, %mul3A_176 : i32
      %mul3A_178 = arith.constant 32 : i32
      %mul3A_179 = arith.muli %add3A_177, %mul3A_178 : i32
      %dma_start3A_180 = arith.constant 1 : i32
      %dma_start3A_181 = arith.constant 0 : i32
      %dma_start3A_182 = arith.constant 0 : i32
      %dma_start3A_183 = tpu.memref_slice %arg6[%dma_start3A_180, %dma_start3A_181, %dma_start3A_182] : memref<2x32x128xf32, #tpu.memory_space<vmem>> -> memref<1x32x128xf32, #tpu.memory_space<vmem>>
      %dma_start3A_184 = tpu.memref_squeeze %dma_start3A_183 : memref<1x32x128xf32, #tpu.memory_space<vmem>> -> memref<32x128xf32, #tpu.memory_space<vmem>>
      %dma_start3A_185 = arith.constant 0 : i32
      %dma_start3A_186 = tpu.memref_slice %arg4[%mul3A_179, %dma_start3A_185] : memref<250000x128xf32, #tpu.memory_space<hbm>> -> memref<32x128xf32, #tpu.memory_space<hbm>>
      %dma_start3A_187 = arith.constant 0 : i32
      %dma_start3A_188 = tpu.memref_slice %arg4[%mul3A_179, %dma_start3A_187] : memref<250000x128xf32, #tpu.memory_space<hbm>> -> memref<32x128xf32, #tpu.memory_space<hbm>>
      %dma_start3A_189 = arith.constant 0 : i32
      %dma_start3A_190 = arith.constant 0 : i32
      %dma_start3A_191 = tpu.memref_slice %arg6[%dma_start3A_180, %dma_start3A_189, %dma_start3A_190] : memref<2x32x128xf32, #tpu.memory_space<vmem>> -> memref<1x32x128xf32, #tpu.memory_space<vmem>>
      %dma_start3A_192 = tpu.memref_squeeze %dma_start3A_191 : memref<1x32x128xf32, #tpu.memory_space<vmem>> -> memref<32x128xf32, #tpu.memory_space<vmem>>
      tpu.enqueue_dma source(%dma_start3A_192 : memref<32x128xf32, #tpu.memory_space<vmem>>) target(%dma_start3A_188 : memref<32x128xf32, #tpu.memory_space<hbm>>) target_semaphore(%arg10 : memref<!tpu.dma_semaphore, #tpu.memory_space<semaphore_mem>>)
    }
    %scan3A_39 = arith.constant 122 : i32
    %convert_element_type3A = arith.extui %lt3A_1 : i1 to i32
    %cond3A = arith.constant 0 : i32
    %cond3A_40 = arith.cmpi ne, %convert_element_type3A, %cond3A : i32
    scf.if %cond3A_40 {
      %add3A_74 = arith.constant 7808 : i32
      %add3A_75 = arith.addi %add3A, %add3A_74 : i32
      %mul3A_76 = arith.constant 128 : i32
      %mul3A_77 = arith.muli %add3A_75, %mul3A_76 : i32
      %dma_wait3A_78 = arith.constant 0 : i32
      %dma_wait3A_79 = arith.constant 0 : i32
      %dma_wait3A_80 = arith.constant 0 : i32
      %dma_wait3A_81 = tpu.memref_slice %arg5[%dma_wait3A_78, %dma_wait3A_79, %dma_wait3A_80] : memref<2x32x128xf32, #tpu.memory_space<vmem>> -> memref<1x32x128xf32, #tpu.memory_space<vmem>>
      %dma_wait3A_82 = tpu.memref_squeeze %dma_wait3A_81 : memref<1x32x128xf32, #tpu.memory_space<vmem>> -> memref<32x128xf32, #tpu.memory_space<vmem>>
      %dma_wait3A_83 = arith.constant 0 : i32
      %dma_wait3A_84 = tpu.memref_slice %arg2[%dma_wait3A_83, %mul3A_77] : memref<32x1000000xf32, #tpu.memory_space<hbm>> -> memref<32x128xf32, #tpu.memory_space<hbm>>
      %dma_wait3A_85 = arith.constant 0 : i32
      %dma_wait3A_86 = arith.constant 0 : i32
      %dma_wait3A_87 = tpu.memref_slice %arg5[%dma_wait3A_78, %dma_wait3A_85, %dma_wait3A_86] : memref<2x32x128xf32, #tpu.memory_space<vmem>> -> memref<1x32x128xf32, #tpu.memory_space<vmem>>
      %dma_wait3A_88 = tpu.memref_squeeze %dma_wait3A_87 : memref<1x32x128xf32, #tpu.memory_space<vmem>> -> memref<32x128xf32, #tpu.memory_space<vmem>>
      %dma_wait3A_89 = arith.constant 0 : i32
      %dma_wait3A_90 = tpu.memref_slice %arg2[%dma_wait3A_89, %mul3A_77] : memref<32x1000000xf32, #tpu.memory_space<hbm>> -> memref<32x128xf32, #tpu.memory_space<hbm>>
      tpu.wait_dma2 semaphore(%arg7 : memref<!tpu.dma_semaphore, #tpu.memory_space<semaphore_mem>>) src(%dma_wait3A_90 : memref<32x128xf32, #tpu.memory_space<hbm>>) dst(%dma_wait3A_88 : memref<32x128xf32, #tpu.memory_space<vmem>>)
      %dma_wait3A_91 = arith.constant 0 : i32
      %dma_wait3A_92 = arith.constant 0 : i32
      %dma_wait3A_93 = arith.constant 0 : i32
      %dma_wait3A_94 = tpu.memref_slice %arg6[%dma_wait3A_91, %dma_wait3A_92, %dma_wait3A_93] : memref<2x32x128xf32, #tpu.memory_space<vmem>> -> memref<1x32x128xf32, #tpu.memory_space<vmem>>
      %dma_wait3A_95 = tpu.memref_squeeze %dma_wait3A_94 : memref<1x32x128xf32, #tpu.memory_space<vmem>> -> memref<32x128xf32, #tpu.memory_space<vmem>>
      %dma_wait3A_96 = arith.constant 0 : i32
      %dma_wait3A_97 = arith.constant 0 : i32
      %dma_wait3A_98 = tpu.memref_slice %arg4[%dma_wait3A_96, %dma_wait3A_97] : memref<250000x128xf32, #tpu.memory_space<hbm>> -> memref<32x128xf32, #tpu.memory_space<hbm>>
      %dma_wait3A_99 = arith.constant 0 : i32
      %dma_wait3A_100 = arith.constant 0 : i32
      %dma_wait3A_101 = tpu.memref_slice %arg4[%dma_wait3A_99, %dma_wait3A_100] : memref<250000x128xf32, #tpu.memory_space<hbm>> -> memref<32x128xf32, #tpu.memory_space<hbm>>
      %dma_wait3A_102 = arith.constant 0 : i32
      %dma_wait3A_103 = arith.constant 0 : i32
      %dma_wait3A_104 = tpu.memref_slice %arg6[%dma_wait3A_91, %dma_wait3A_102, %dma_wait3A_103] : memref<2x32x128xf32, #tpu.memory_space<vmem>> -> memref<1x32x128xf32, #tpu.memory_space<vmem>>
      %dma_wait3A_105 = tpu.memref_squeeze %dma_wait3A_104 : memref<1x32x128xf32, #tpu.memory_space<vmem>> -> memref<32x128xf32, #tpu.memory_space<vmem>>
      tpu.wait_dma2 semaphore(%arg9 : memref<!tpu.dma_semaphore, #tpu.memory_space<semaphore_mem>>) src(%dma_wait3A_105 : memref<32x128xf32, #tpu.memory_space<vmem>>) dst(%dma_wait3A_101 : memref<32x128xf32, #tpu.memory_space<hbm>>)
      %parallel_loop3A = arith.constant 0 : i32
      %parallel_loop3A_106 = arith.constant 256 : i32
      %parallel_loop3A_107 = arith.constant 1 : i32
      scf.for %parallel_loop3A_125 = %parallel_loop3A to %parallel_loop3A_106 step %parallel_loop3A_107  : i32 {
        %parallel_loop3A_126 = arith.constant 8 : i32
        %parallel_loop3A_127 = arith.divsi %parallel_loop3A_125, %parallel_loop3A_126 : i32
        %parallel_loop3A_128 = arith.constant 0 : i32
        %parallel_loop3A_129 = arith.cmpi sgt, %parallel_loop3A_125, %parallel_loop3A_128 : i32
        %parallel_loop3A_130 = arith.extui %parallel_loop3A_129 : i1 to i32
        %parallel_loop3A_131 = arith.constant 0 : i32
        %parallel_loop3A_132 = arith.cmpi slt, %parallel_loop3A_125, %parallel_loop3A_131 : i32
        %parallel_loop3A_133 = arith.extui %parallel_loop3A_132 : i1 to i32
        %parallel_loop3A_134 = arith.subi %parallel_loop3A_130, %parallel_loop3A_133 : i32
        %parallel_loop3A_135 = arith.constant 0 : i32
        %parallel_loop3A_136 = arith.cmpi sgt, %parallel_loop3A_126, %parallel_loop3A_135 : i32
        %parallel_loop3A_137 = arith.extui %parallel_loop3A_136 : i1 to i32
        %parallel_loop3A_138 = arith.constant 0 : i32
        %parallel_loop3A_139 = arith.cmpi slt, %parallel_loop3A_126, %parallel_loop3A_138 : i32
        %parallel_loop3A_140 = arith.extui %parallel_loop3A_139 : i1 to i32
        %parallel_loop3A_141 = arith.subi %parallel_loop3A_137, %parallel_loop3A_140 : i32
        %parallel_loop3A_142 = arith.cmpi ne, %parallel_loop3A_134, %parallel_loop3A_141 : i32
        %parallel_loop3A_143 = arith.remsi %parallel_loop3A_125, %parallel_loop3A_126 : i32
        %parallel_loop3A_144 = arith.constant 0 : i32
        %parallel_loop3A_145 = arith.cmpi ne, %parallel_loop3A_143, %parallel_loop3A_144 : i32
        %parallel_loop3A_146 = arith.andi %parallel_loop3A_142, %parallel_loop3A_145 : i1
        %parallel_loop3A_147 = arith.constant 1 : i32
        %parallel_loop3A_148 = arith.subi %parallel_loop3A_127, %parallel_loop3A_147 : i32
        %parallel_loop3A_149 = arith.select %parallel_loop3A_146, %parallel_loop3A_148, %parallel_loop3A_127 : i32
        %parallel_loop3A_150 = arith.constant 8 : i32
        %parallel_loop3A_151 = arith.constant 0 : i32
        %parallel_loop3A_152 = arith.cmpi eq, %parallel_loop3A_150, %parallel_loop3A_151 : i32
        %parallel_loop3A_153 = arith.constant 1 : i32
        %parallel_loop3A_154 = arith.select %parallel_loop3A_152, %parallel_loop3A_153, %parallel_loop3A_150 : i32
        %parallel_loop3A_155 = arith.remsi %parallel_loop3A_125, %parallel_loop3A_154 : i32
        %parallel_loop3A_156 = arith.constant 0 : i32
        %parallel_loop3A_157 = arith.cmpi ne, %parallel_loop3A_155, %parallel_loop3A_156 : i32
        %parallel_loop3A_158 = arith.constant 0 : i32
        %parallel_loop3A_159 = arith.cmpi slt, %parallel_loop3A_155, %parallel_loop3A_158 : i32
        %parallel_loop3A_160 = arith.constant 0 : i32
        %parallel_loop3A_161 = arith.cmpi slt, %parallel_loop3A_154, %parallel_loop3A_160 : i32
        %parallel_loop3A_162 = arith.xori %parallel_loop3A_159, %parallel_loop3A_161 : i1
        %parallel_loop3A_163 = arith.andi %parallel_loop3A_162, %parallel_loop3A_157 : i1
        %parallel_loop3A_164 = arith.addi %parallel_loop3A_155, %parallel_loop3A_154 : i32
        %parallel_loop3A_165 = arith.select %parallel_loop3A_163, %parallel_loop3A_164, %parallel_loop3A_155 : i32
        %parallel_loop3A_166 = arith.constant 2 : i32
        %parallel_loop3A_167 = arith.constant 0 : i32
        %parallel_loop3A_168 = arith.cmpi eq, %parallel_loop3A_166, %parallel_loop3A_167 : i32
        %parallel_loop3A_169 = arith.constant 1 : i32
        %parallel_loop3A_170 = arith.select %parallel_loop3A_168, %parallel_loop3A_169, %parallel_loop3A_166 : i32
        %parallel_loop3A_171 = arith.remsi %parallel_loop3A_165, %parallel_loop3A_170 : i32
        %parallel_loop3A_172 = arith.constant 0 : i32
        %parallel_loop3A_173 = arith.cmpi ne, %parallel_loop3A_171, %parallel_loop3A_172 : i32
        %parallel_loop3A_174 = arith.constant 0 : i32
        %parallel_loop3A_175 = arith.cmpi slt, %parallel_loop3A_171, %parallel_loop3A_174 : i32
        %parallel_loop3A_176 = arith.constant 0 : i32
        %parallel_loop3A_177 = arith.cmpi slt, %parallel_loop3A_170, %parallel_loop3A_176 : i32
        %parallel_loop3A_178 = arith.xori %parallel_loop3A_175, %parallel_loop3A_177 : i1
        %parallel_loop3A_179 = arith.andi %parallel_loop3A_178, %parallel_loop3A_173 : i1
        %parallel_loop3A_180 = arith.addi %parallel_loop3A_171, %parallel_loop3A_170 : i32
        %parallel_loop3A_181 = arith.select %parallel_loop3A_179, %parallel_loop3A_180, %parallel_loop3A_171 : i32
        %parallel_loop3A_182 = arith.constant 16 : i32
        %parallel_loop3A_183 = arith.muli %parallel_loop3A_181, %parallel_loop3A_182 : i32
        %parallel_loop3A_184 = vector.broadcast %parallel_loop3A_183 : i32 to vector<16xi32>
        %parallel_loop3A_185 = arith.addi %iota3A, %parallel_loop3A_184 : vector<16xi32>
        %parallel_loop3A_186 = arith.constant 4 : i32
        %parallel_loop3A_187 = arith.muli %parallel_loop3A_186, %parallel_loop3A_149 : i32
        %parallel_loop3A_188 = arith.constant 2 : i32
        %parallel_loop3A_189 = arith.divsi %parallel_loop3A_165, %parallel_loop3A_188 : i32
        %parallel_loop3A_190 = arith.constant 0 : i32
        %parallel_loop3A_191 = arith.cmpi sgt, %parallel_loop3A_165, %parallel_loop3A_190 : i32
        %parallel_loop3A_192 = arith.extui %parallel_loop3A_191 : i1 to i32
        %parallel_loop3A_193 = arith.constant 0 : i32
        %parallel_loop3A_194 = arith.cmpi slt, %parallel_loop3A_165, %parallel_loop3A_193 : i32
        %parallel_loop3A_195 = arith.extui %parallel_loop3A_194 : i1 to i32
        %parallel_loop3A_196 = arith.subi %parallel_loop3A_192, %parallel_loop3A_195 : i32
        %parallel_loop3A_197 = arith.constant 0 : i32
        %parallel_loop3A_198 = arith.cmpi sgt, %parallel_loop3A_188, %parallel_loop3A_197 : i32
        %parallel_loop3A_199 = arith.extui %parallel_loop3A_198 : i1 to i32
        %parallel_loop3A_200 = arith.constant 0 : i32
        %parallel_loop3A_201 = arith.cmpi slt, %parallel_loop3A_188, %parallel_loop3A_200 : i32
        %parallel_loop3A_202 = arith.extui %parallel_loop3A_201 : i1 to i32
        %parallel_loop3A_203 = arith.subi %parallel_loop3A_199, %parallel_loop3A_202 : i32
        %parallel_loop3A_204 = arith.cmpi ne, %parallel_loop3A_196, %parallel_loop3A_203 : i32
        %parallel_loop3A_205 = arith.remsi %parallel_loop3A_165, %parallel_loop3A_188 : i32
        %parallel_loop3A_206 = arith.constant 0 : i32
        %parallel_loop3A_207 = arith.cmpi ne, %parallel_loop3A_205, %parallel_loop3A_206 : i32
        %parallel_loop3A_208 = arith.andi %parallel_loop3A_204, %parallel_loop3A_207 : i1
        %parallel_loop3A_209 = arith.constant 1 : i32
        %parallel_loop3A_210 = arith.subi %parallel_loop3A_189, %parallel_loop3A_209 : i32
        %parallel_loop3A_211 = arith.select %parallel_loop3A_208, %parallel_loop3A_210, %parallel_loop3A_189 : i32
        %parallel_loop3A_212 = arith.addi %parallel_loop3A_187, %parallel_loop3A_211 : i32
        %parallel_loop3A_213 = vector.broadcast %parallel_loop3A_212 : i32 to vector<16xi32>
        %parallel_loop3A_214 = arith.constant 0 : i32
        %parallel_loop3A_215 = arith.constant 0 : i32
        %parallel_loop3A_216 = arith.constant 0 : i32
        %parallel_loop3A_217 = tpu.memref_slice %arg5[%parallel_loop3A_214, %parallel_loop3A_215, %parallel_loop3A_216] : memref<2x32x128xf32, #tpu.memory_space<vmem>> -> memref<1x32x128xf32, #tpu.memory_space<vmem>>
        %parallel_loop3A_218 = tpu.memref_squeeze %parallel_loop3A_217 : memref<1x32x128xf32, #tpu.memory_space<vmem>> -> memref<32x128xf32, #tpu.memory_space<vmem>>
        %parallel_loop3A_219 = tpu.vector_load_idx %parallel_loop3A_218[%parallel_loop3A_185, %parallel_loop3A_213] : memref<32x128xf32, #tpu.memory_space<vmem>>[vector<16xi32>, vector<16xi32>], vector<16xf32>,
        %parallel_loop3A_220 = arith.constant 16 : i32
        %parallel_loop3A_221 = arith.muli %parallel_loop3A_165, %parallel_loop3A_220 : i32
        %parallel_loop3A_222 = arith.constant 0 : i32
        %parallel_loop3A_223 = arith.index_cast %parallel_loop3A_222 : i32 to index
        %parallel_loop3A_224 = arith.index_cast %parallel_loop3A_149 : i32 to index
        %parallel_loop3A_225 = arith.index_cast %parallel_loop3A_221 : i32 to index
        %parallel_loop3A_226 = tpu.vector_load %arg6[%parallel_loop3A_223, %parallel_loop3A_224, %parallel_loop3A_225] {strides = array<i32>} : memref<2x32x128xf32, #tpu.memory_space<vmem>>, vector<16xf32>,
        tpu.vector_store %arg6[%parallel_loop3A_223, %parallel_loop3A_224, %parallel_loop3A_225], %parallel_loop3A_219 {strides = array<i32>} : memref<2x32x128xf32, #tpu.memory_space<vmem>>, vector<16xf32>,
      } {sc.loop_unroll_factor = 8 : i64, sc.parallel_access}
      %add3A_108 = arith.constant 7808 : i32
      %add3A_109 = arith.addi %add3A, %add3A_108 : i32
      %mul3A_110 = arith.constant 32 : i32
      %mul3A_111 = arith.muli %add3A_109, %mul3A_110 : i32
      %dma_start3A_112 = arith.constant 0 : i32
      %dma_start3A_113 = arith.constant 0 : i32
      %dma_start3A_114 = arith.constant 0 : i32
      %dma_start3A_115 = tpu.memref_slice %arg6[%dma_start3A_112, %dma_start3A_113, %dma_start3A_114] : memref<2x32x128xf32, #tpu.memory_space<vmem>> -> memref<1x32x128xf32, #tpu.memory_space<vmem>>
      %dma_start3A_116 = tpu.memref_squeeze %dma_start3A_115 : memref<1x32x128xf32, #tpu.memory_space<vmem>> -> memref<32x128xf32, #tpu.memory_space<vmem>>
      %dma_start3A_117 = arith.constant 0 : i32
      %dma_start3A_118 = tpu.memref_slice %arg4[%mul3A_111, %dma_start3A_117] : memref<250000x128xf32, #tpu.memory_space<hbm>> -> memref<32x128xf32, #tpu.memory_space<hbm>>
      %dma_start3A_119 = arith.constant 0 : i32
      %dma_start3A_120 = tpu.memref_slice %arg4[%mul3A_111, %dma_start3A_119] : memref<250000x128xf32, #tpu.memory_space<hbm>> -> memref<32x128xf32, #tpu.memory_space<hbm>>
      %dma_start3A_121 = arith.constant 0 : i32
      %dma_start3A_122 = arith.constant 0 : i32
      %dma_start3A_123 = tpu.memref_slice %arg6[%dma_start3A_112, %dma_start3A_121, %dma_start3A_122] : memref<2x32x128xf32, #tpu.memory_space<vmem>> -> memref<1x32x128xf32, #tpu.memory_space<vmem>>
      %dma_start3A_124 = tpu.memref_squeeze %dma_start3A_123 : memref<1x32x128xf32, #tpu.memory_space<vmem>> -> memref<32x128xf32, #tpu.memory_space<vmem>>
      tpu.enqueue_dma source(%dma_start3A_124 : memref<32x128xf32, #tpu.memory_space<vmem>>) target(%dma_start3A_120 : memref<32x128xf32, #tpu.memory_space<hbm>>) target_semaphore(%arg9 : memref<!tpu.dma_semaphore, #tpu.memory_space<semaphore_mem>>)
    } else {
    }
    %dma_wait3A = arith.constant 0 : i32
    %dma_wait3A_41 = arith.constant 0 : i32
    %dma_wait3A_42 = arith.constant 0 : i32
    %dma_wait3A_43 = tpu.memref_slice %arg6[%dma_wait3A, %dma_wait3A_41, %dma_wait3A_42] : memref<2x32x128xf32, #tpu.memory_space<vmem>> -> memref<1x32x128xf32, #tpu.memory_space<vmem>>
    %dma_wait3A_44 = tpu.memref_squeeze %dma_wait3A_43 : memref<1x32x128xf32, #tpu.memory_space<vmem>> -> memref<32x128xf32, #tpu.memory_space<vmem>>
    %dma_wait3A_45 = arith.constant 0 : i32
    %dma_wait3A_46 = arith.constant 0 : i32
    %dma_wait3A_47 = tpu.memref_slice %arg4[%dma_wait3A_45, %dma_wait3A_46] : memref<250000x128xf32, #tpu.memory_space<hbm>> -> memref<32x128xf32, #tpu.memory_space<hbm>>
    %dma_wait3A_48 = arith.constant 0 : i32
    %dma_wait3A_49 = arith.constant 0 : i32
    %dma_wait3A_50 = tpu.memref_slice %arg4[%dma_wait3A_48, %dma_wait3A_49] : memref<250000x128xf32, #tpu.memory_space<hbm>> -> memref<32x128xf32, #tpu.memory_space<hbm>>
    %dma_wait3A_51 = arith.constant 0 : i32
    %dma_wait3A_52 = arith.constant 0 : i32
    %dma_wait3A_53 = tpu.memref_slice %arg6[%dma_wait3A, %dma_wait3A_51, %dma_wait3A_52] : memref<2x32x128xf32, #tpu.memory_space<vmem>> -> memref<1x32x128xf32, #tpu.memory_space<vmem>>
    %dma_wait3A_54 = tpu.memref_squeeze %dma_wait3A_53 : memref<1x32x128xf32, #tpu.memory_space<vmem>> -> memref<32x128xf32, #tpu.memory_space<vmem>>
    tpu.wait_dma2 semaphore(%arg9 : memref<!tpu.dma_semaphore, #tpu.memory_space<semaphore_mem>>) src(%dma_wait3A_54 : memref<32x128xf32, #tpu.memory_space<vmem>>) dst(%dma_wait3A_50 : memref<32x128xf32, #tpu.memory_space<hbm>>)
    %dma_wait3A_55 = arith.constant 1 : i32
    %dma_wait3A_56 = arith.constant 0 : i32
    %dma_wait3A_57 = arith.constant 0 : i32
    %dma_wait3A_58 = tpu.memref_slice %arg6[%dma_wait3A_55, %dma_wait3A_56, %dma_wait3A_57] : memref<2x32x128xf32, #tpu.memory_space<vmem>> -> memref<1x32x128xf32, #tpu.memory_space<vmem>>
    %dma_wait3A_59 = tpu.memref_squeeze %dma_wait3A_58 : memref<1x32x128xf32, #tpu.memory_space<vmem>> -> memref<32x128xf32, #tpu.memory_space<vmem>>
    %dma_wait3A_60 = arith.constant 0 : i32
    %dma_wait3A_61 = arith.constant 0 : i32
    %dma_wait3A_62 = tpu.memref_slice %arg4[%dma_wait3A_60, %dma_wait3A_61] : memref<250000x128xf32, #tpu.memory_space<hbm>> -> memref<32x128xf32, #tpu.memory_space<hbm>>
    %dma_wait3A_63 = arith.constant 0 : i32
    %dma_wait3A_64 = arith.constant 0 : i32
    %dma_wait3A_65 = tpu.memref_slice %arg4[%dma_wait3A_63, %dma_wait3A_64] : memref<250000x128xf32, #tpu.memory_space<hbm>> -> memref<32x128xf32, #tpu.memory_space<hbm>>
    %dma_wait3A_66 = arith.constant 0 : i32
    %dma_wait3A_67 = arith.constant 0 : i32
    %dma_wait3A_68 = tpu.memref_slice %arg6[%dma_wait3A_55, %dma_wait3A_66, %dma_wait3A_67] : memref<2x32x128xf32, #tpu.memory_space<vmem>> -> memref<1x32x128xf32, #tpu.memory_space<vmem>>
    %dma_wait3A_69 = tpu.memref_squeeze %dma_wait3A_68 : memref<1x32x128xf32, #tpu.memory_space<vmem>> -> memref<32x128xf32, #tpu.memory_space<vmem>>
    tpu.wait_dma2 semaphore(%arg10 : memref<!tpu.dma_semaphore, #tpu.memory_space<semaphore_mem>>) src(%dma_wait3A_69 : memref<32x128xf32, #tpu.memory_space<vmem>>) dst(%dma_wait3A_65 : memref<32x128xf32, #tpu.memory_space<hbm>>)
    %eq3A = arith.constant 0 : i32
    %eq3A_70 = arith.cmpi eq, %add3A, %eq3A : i32
    %convert_element_type3A_71 = arith.extui %eq3A_70 : i1 to i32
    %cond3A_72 = arith.constant 0 : i32
    %cond3A_73 = arith.cmpi ne, %convert_element_type3A_71, %cond3A_72 : i32
    scf.if %cond3A_73 {
      "tpu.region"() ({
        %run_scoped3A = tpu.sem_alloc : memref<!tpu.dma_semaphore, #tpu.memory_space<semaphore_mem>>
        %dma_start3A_74 = arith.constant 249984 : i32
        %dma_start3A_75 = arith.constant 0 : i32
        %dma_start3A_76 = tpu.memref_slice %arg4[%dma_start3A_74, %dma_start3A_75] : memref<250000x128xf32, #tpu.memory_space<hbm>> -> memref<16x128xf32, #tpu.memory_space<hbm>>
        tpu.enqueue_dma source(%arg3 : memref<16x128xf32, #tpu.memory_space<hbm>>) target(%dma_start3A_76 : memref<16x128xf32, #tpu.memory_space<hbm>>) target_semaphore(%run_scoped3A : memref<!tpu.dma_semaphore, #tpu.memory_space<semaphore_mem>>)
        %dma_wait3A_77 = arith.constant 249984 : i32
        %dma_wait3A_78 = arith.constant 0 : i32
        %dma_wait3A_79 = tpu.memref_slice %arg4[%dma_wait3A_77, %dma_wait3A_78] : memref<250000x128xf32, #tpu.memory_space<hbm>> -> memref<16x128xf32, #tpu.memory_space<hbm>>
        tpu.wait_dma2 semaphore(%run_scoped3A : memref<!tpu.dma_semaphore, #tpu.memory_space<semaphore_mem>>) src(%arg3 : memref<16x128xf32, #tpu.memory_space<hbm>>) dst(%dma_wait3A_79 : memref<16x128xf32, #tpu.memory_space<hbm>>)
        tpu.yield
      }) : () -> ()
    } else {
    }
    return
  }
}

module attributes {stable_mosaic.version = 14 : i64} {
  func.func @_mlp_body(%arg0: i32, %arg1: i32, %arg2: memref<1024x128xf32, #tpu.memory_space<vmem>>, %arg3: memref<32x64xf32, #tpu.memory_space<vmem>>, %arg4: memref<1x64xf32, #tpu.memory_space<vmem>>, %arg5: memref<64x32xf32, #tpu.memory_space<vmem>>, %arg6: memref<1x32xf32, #tpu.memory_space<vmem>>, %arg7: memref<1x32x4096xf32, #tpu.memory_space<vmem>>) attributes {dimension_semantics = [#tpu.dimension_semantics<arbitrary>, #tpu.dimension_semantics<arbitrary>], iteration_bounds = array<i64: 50, 4>, scalar_prefetch = 0 : i64, scratch_operands = 0 : i64, tpu.core_type = #tpu.core_type<tc>, window_params = [{transform_indices = @transform_0, window_bounds = array<i64: 1024, 128>}, {pipeline_mode = #tpu.pipeline_mode<synchronous>, transform_indices = @transform_1, window_bounds = array<i64: 32, 64>}, {pipeline_mode = #tpu.pipeline_mode<synchronous>, transform_indices = @transform_2, window_bounds = array<i64: 1, 64>}, {pipeline_mode = #tpu.pipeline_mode<synchronous>, transform_indices = @transform_3, window_bounds = array<i64: 64, 32>}, {pipeline_mode = #tpu.pipeline_mode<synchronous>, transform_indices = @transform_4, window_bounds = array<i64: 1, 32>}, {transform_indices = @transform_5, window_bounds = array<i64: 1, 32, 4096>}]} {
    %get3A = arith.constant 0 : index
    %get3A_0 = arith.constant 0 : index
    %get3A_1 = vector.load %arg2[%get3A, %get3A_0] : memref<1024x128xf32, #tpu.memory_space<vmem>>, vector<1024x128xf32>
    %get3A_2 = arith.constant 0 : index
    %get3A_3 = arith.constant 0 : index
    %get3A_4 = vector.load %arg3[%get3A_2, %get3A_3] : memref<32x64xf32, #tpu.memory_space<vmem>>, vector<32x64xf32>
    %get3A_5 = arith.constant 0 : index
    %get3A_6 = arith.constant 0 : index
    %get3A_7 = vector.load %arg4[%get3A_5, %get3A_6] : memref<1x64xf32, #tpu.memory_space<vmem>>, vector<1x64xf32>
    %get3A_8 = arith.constant 0 : index
    %get3A_9 = arith.constant 0 : index
    %get3A_10 = vector.load %arg5[%get3A_8, %get3A_9] : memref<64x32xf32, #tpu.memory_space<vmem>>, vector<64x32xf32>
    %get3A_11 = arith.constant 0 : index
    %get3A_12 = arith.constant 0 : index
    %get3A_13 = vector.load %arg6[%get3A_11, %get3A_12] : memref<1x32xf32, #tpu.memory_space<vmem>>, vector<1x32xf32>
    %slice3A = vector.extract_strided_slice %get3A_1 {offsets = [0, 0], sizes = [1024, 32], strides = [1, 1]} : vector<1024x128xf32> to vector<1024x32xf32>
    %dot_general3A = arith.constant dense<0.000000e+00> : vector<1024x64xf32>
    %dot_general3A_14 = tpu.matmul %slice3A, %get3A_4, %dot_general3A {dimension_numbers = #tpu.dot_dimension_numbers<[1], [0], [0], [1], [0, 0, 1, 1], [], []>, transpose_lhs_hint = false} : vector<1024x32xf32>, vector<32x64xf32>, vector<1024x64xf32> -> vector<1024x64xf32>
    %add3A = vector.broadcast %get3A_7 : vector<1x64xf32> to vector<1024x64xf32>
    %add3A_15 = arith.addf %dot_general3A_14, %add3A : vector<1024x64xf32>
    %neg3A = arith.constant 0.000000e+00 : f32
    %neg3A_16 = vector.broadcast %neg3A : f32 to vector<1024x64xf32>
    %neg3A_17 = arith.subf %neg3A_16, %add3A_15 : vector<1024x64xf32>
    %exp3A = math.exp %neg3A_17 : vector<1024x64xf32>
    %add3A_18 = arith.constant 1.000000e+00 : f32
    %add3A_19 = vector.broadcast %add3A_18 : f32 to vector<1024x64xf32>
    %add3A_20 = arith.addf %add3A_19, %exp3A : vector<1024x64xf32>
    %div3A = arith.constant 1.000000e+00 : f32
    %div3A_21 = vector.broadcast %div3A : f32 to vector<1024x64xf32>
    %div3A_22 = arith.divf %div3A_21, %add3A_20 : vector<1024x64xf32>
    %dot_general3A_23 = arith.constant dense<0.000000e+00> : vector<1024x32xf32>
    %dot_general3A_24 = tpu.matmul %div3A_22, %get3A_10, %dot_general3A_23 {dimension_numbers = #tpu.dot_dimension_numbers<[1], [0], [0], [1], [0, 0, 1, 1], [], []>, transpose_lhs_hint = false} : vector<1024x64xf32>, vector<64x32xf32>, vector<1024x32xf32> -> vector<1024x32xf32>
    %add3A_25 = vector.broadcast %get3A_13 : vector<1x32xf32> to vector<1024x32xf32>
    %add3A_26 = arith.addf %dot_general3A_24, %add3A_25 : vector<1024x32xf32>
    %neg3A_27 = arith.constant 0.000000e+00 : f32
    %neg3A_28 = vector.broadcast %neg3A_27 : f32 to vector<1024x32xf32>
    %neg3A_29 = arith.subf %neg3A_28, %add3A_26 : vector<1024x32xf32>
    %exp3A_30 = math.exp %neg3A_29 : vector<1024x32xf32>
    %add3A_31 = arith.constant 1.000000e+00 : f32
    %add3A_32 = vector.broadcast %add3A_31 : f32 to vector<1024x32xf32>
    %add3A_33 = arith.addf %add3A_32, %exp3A_30 : vector<1024x32xf32>
    %div3A_34 = arith.constant 1.000000e+00 : f32
    %div3A_35 = vector.broadcast %div3A_34 : f32 to vector<1024x32xf32>
    %div3A_36 = arith.divf %div3A_35, %add3A_33 : vector<1024x32xf32>
    %transpose3A = tpu.transpose %div3A_36, [1, 0] : vector<1024x32xf32> -> vector<32x1024xf32>
    %swap3A = arith.constant 0 : index
    %swap3A_37 = arith.constant 0 : index
    %swap3A_38 = arith.constant 0 : index
    %swap3A_39 = vector.load %arg7[%swap3A, %swap3A_37, %swap3A_38] : memref<1x32x4096xf32, #tpu.memory_space<vmem>>, vector<1x32x1024xf32>
    %swap3A_40 = vector.shape_cast %swap3A_39 : vector<1x32x1024xf32> to vector<32x1024xf32>
    %swap3A_41 = vector.shape_cast %transpose3A : vector<32x1024xf32> to vector<1x32x1024xf32>
    tpu.vector_store %arg7[%swap3A, %swap3A_37, %swap3A_38], %swap3A_41 {strides = array<i32>} : memref<1x32x4096xf32, #tpu.memory_space<vmem>>, vector<1x32x1024xf32>,
    %slice3A_42 = vector.extract_strided_slice %get3A_1 {offsets = [0, 32], sizes = [1024, 32], strides = [1, 1]} : vector<1024x128xf32> to vector<1024x32xf32>
    %dot_general3A_43 = arith.constant dense<0.000000e+00> : vector<1024x64xf32>
    %dot_general3A_44 = tpu.matmul %slice3A_42, %get3A_4, %dot_general3A_43 {dimension_numbers = #tpu.dot_dimension_numbers<[1], [0], [0], [1], [0, 0, 1, 1], [], []>, transpose_lhs_hint = false} : vector<1024x32xf32>, vector<32x64xf32>, vector<1024x64xf32> -> vector<1024x64xf32>
    %add3A_45 = vector.broadcast %get3A_7 : vector<1x64xf32> to vector<1024x64xf32>
    %add3A_46 = arith.addf %dot_general3A_44, %add3A_45 : vector<1024x64xf32>
    %neg3A_47 = arith.constant 0.000000e+00 : f32
    %neg3A_48 = vector.broadcast %neg3A_47 : f32 to vector<1024x64xf32>
    %neg3A_49 = arith.subf %neg3A_48, %add3A_46 : vector<1024x64xf32>
    %exp3A_50 = math.exp %neg3A_49 : vector<1024x64xf32>
    %add3A_51 = arith.constant 1.000000e+00 : f32
    %add3A_52 = vector.broadcast %add3A_51 : f32 to vector<1024x64xf32>
    %add3A_53 = arith.addf %add3A_52, %exp3A_50 : vector<1024x64xf32>
    %div3A_54 = arith.constant 1.000000e+00 : f32
    %div3A_55 = vector.broadcast %div3A_54 : f32 to vector<1024x64xf32>
    %div3A_56 = arith.divf %div3A_55, %add3A_53 : vector<1024x64xf32>
    %dot_general3A_57 = arith.constant dense<0.000000e+00> : vector<1024x32xf32>
    %dot_general3A_58 = tpu.matmul %div3A_56, %get3A_10, %dot_general3A_57 {dimension_numbers = #tpu.dot_dimension_numbers<[1], [0], [0], [1], [0, 0, 1, 1], [], []>, transpose_lhs_hint = false} : vector<1024x64xf32>, vector<64x32xf32>, vector<1024x32xf32> -> vector<1024x32xf32>
    %add3A_59 = vector.broadcast %get3A_13 : vector<1x32xf32> to vector<1024x32xf32>
    %add3A_60 = arith.addf %dot_general3A_58, %add3A_59 : vector<1024x32xf32>
    %neg3A_61 = arith.constant 0.000000e+00 : f32
    %neg3A_62 = vector.broadcast %neg3A_61 : f32 to vector<1024x32xf32>
    %neg3A_63 = arith.subf %neg3A_62, %add3A_60 : vector<1024x32xf32>
    %exp3A_64 = math.exp %neg3A_63 : vector<1024x32xf32>
    %add3A_65 = arith.constant 1.000000e+00 : f32
    %add3A_66 = vector.broadcast %add3A_65 : f32 to vector<1024x32xf32>
    %add3A_67 = arith.addf %add3A_66, %exp3A_64 : vector<1024x32xf32>
    %div3A_68 = arith.constant 1.000000e+00 : f32
    %div3A_69 = vector.broadcast %div3A_68 : f32 to vector<1024x32xf32>
    %div3A_70 = arith.divf %div3A_69, %add3A_67 : vector<1024x32xf32>
    %transpose3A_71 = tpu.transpose %div3A_70, [1, 0] : vector<1024x32xf32> -> vector<32x1024xf32>
    %swap3A_72 = arith.constant 0 : index
    %swap3A_73 = arith.constant 0 : index
    %swap3A_74 = arith.constant 1024 : index
    %swap3A_75 = vector.load %arg7[%swap3A_72, %swap3A_73, %swap3A_74] : memref<1x32x4096xf32, #tpu.memory_space<vmem>>, vector<1x32x1024xf32>
    %swap3A_76 = vector.shape_cast %swap3A_75 : vector<1x32x1024xf32> to vector<32x1024xf32>
    %swap3A_77 = vector.shape_cast %transpose3A_71 : vector<32x1024xf32> to vector<1x32x1024xf32>
    tpu.vector_store %arg7[%swap3A_72, %swap3A_73, %swap3A_74], %swap3A_77 {strides = array<i32>} : memref<1x32x4096xf32, #tpu.memory_space<vmem>>, vector<1x32x1024xf32>,
    %slice3A_78 = vector.extract_strided_slice %get3A_1 {offsets = [0, 64], sizes = [1024, 32], strides = [1, 1]} : vector<1024x128xf32> to vector<1024x32xf32>
    %dot_general3A_79 = arith.constant dense<0.000000e+00> : vector<1024x64xf32>
    %dot_general3A_80 = tpu.matmul %slice3A_78, %get3A_4, %dot_general3A_79 {dimension_numbers = #tpu.dot_dimension_numbers<[1], [0], [0], [1], [0, 0, 1, 1], [], []>, transpose_lhs_hint = false} : vector<1024x32xf32>, vector<32x64xf32>, vector<1024x64xf32> -> vector<1024x64xf32>
    %add3A_81 = vector.broadcast %get3A_7 : vector<1x64xf32> to vector<1024x64xf32>
    %add3A_82 = arith.addf %dot_general3A_80, %add3A_81 : vector<1024x64xf32>
    %neg3A_83 = arith.constant 0.000000e+00 : f32
    %neg3A_84 = vector.broadcast %neg3A_83 : f32 to vector<1024x64xf32>
    %neg3A_85 = arith.subf %neg3A_84, %add3A_82 : vector<1024x64xf32>
    %exp3A_86 = math.exp %neg3A_85 : vector<1024x64xf32>
    %add3A_87 = arith.constant 1.000000e+00 : f32
    %add3A_88 = vector.broadcast %add3A_87 : f32 to vector<1024x64xf32>
    %add3A_89 = arith.addf %add3A_88, %exp3A_86 : vector<1024x64xf32>
    %div3A_90 = arith.constant 1.000000e+00 : f32
    %div3A_91 = vector.broadcast %div3A_90 : f32 to vector<1024x64xf32>
    %div3A_92 = arith.divf %div3A_91, %add3A_89 : vector<1024x64xf32>
    %dot_general3A_93 = arith.constant dense<0.000000e+00> : vector<1024x32xf32>
    %dot_general3A_94 = tpu.matmul %div3A_92, %get3A_10, %dot_general3A_93 {dimension_numbers = #tpu.dot_dimension_numbers<[1], [0], [0], [1], [0, 0, 1, 1], [], []>, transpose_lhs_hint = false} : vector<1024x64xf32>, vector<64x32xf32>, vector<1024x32xf32> -> vector<1024x32xf32>
    %add3A_95 = vector.broadcast %get3A_13 : vector<1x32xf32> to vector<1024x32xf32>
    %add3A_96 = arith.addf %dot_general3A_94, %add3A_95 : vector<1024x32xf32>
    %neg3A_97 = arith.constant 0.000000e+00 : f32
    %neg3A_98 = vector.broadcast %neg3A_97 : f32 to vector<1024x32xf32>
    %neg3A_99 = arith.subf %neg3A_98, %add3A_96 : vector<1024x32xf32>
    %exp3A_100 = math.exp %neg3A_99 : vector<1024x32xf32>
    %add3A_101 = arith.constant 1.000000e+00 : f32
    %add3A_102 = vector.broadcast %add3A_101 : f32 to vector<1024x32xf32>
    %add3A_103 = arith.addf %add3A_102, %exp3A_100 : vector<1024x32xf32>
    %div3A_104 = arith.constant 1.000000e+00 : f32
    %div3A_105 = vector.broadcast %div3A_104 : f32 to vector<1024x32xf32>
    %div3A_106 = arith.divf %div3A_105, %add3A_103 : vector<1024x32xf32>
    %transpose3A_107 = tpu.transpose %div3A_106, [1, 0] : vector<1024x32xf32> -> vector<32x1024xf32>
    %swap3A_108 = arith.constant 0 : index
    %swap3A_109 = arith.constant 0 : index
    %swap3A_110 = arith.constant 2048 : index
    %swap3A_111 = vector.load %arg7[%swap3A_108, %swap3A_109, %swap3A_110] : memref<1x32x4096xf32, #tpu.memory_space<vmem>>, vector<1x32x1024xf32>
    %swap3A_112 = vector.shape_cast %swap3A_111 : vector<1x32x1024xf32> to vector<32x1024xf32>
    %swap3A_113 = vector.shape_cast %transpose3A_107 : vector<32x1024xf32> to vector<1x32x1024xf32>
    tpu.vector_store %arg7[%swap3A_108, %swap3A_109, %swap3A_110], %swap3A_113 {strides = array<i32>} : memref<1x32x4096xf32, #tpu.memory_space<vmem>>, vector<1x32x1024xf32>,
    %slice3A_114 = vector.extract_strided_slice %get3A_1 {offsets = [0, 96], sizes = [1024, 32], strides = [1, 1]} : vector<1024x128xf32> to vector<1024x32xf32>
    %dot_general3A_115 = arith.constant dense<0.000000e+00> : vector<1024x64xf32>
    %dot_general3A_116 = tpu.matmul %slice3A_114, %get3A_4, %dot_general3A_115 {dimension_numbers = #tpu.dot_dimension_numbers<[1], [0], [0], [1], [0, 0, 1, 1], [], []>, transpose_lhs_hint = false} : vector<1024x32xf32>, vector<32x64xf32>, vector<1024x64xf32> -> vector<1024x64xf32>
    %add3A_117 = vector.broadcast %get3A_7 : vector<1x64xf32> to vector<1024x64xf32>
    %add3A_118 = arith.addf %dot_general3A_116, %add3A_117 : vector<1024x64xf32>
    %neg3A_119 = arith.constant 0.000000e+00 : f32
    %neg3A_120 = vector.broadcast %neg3A_119 : f32 to vector<1024x64xf32>
    %neg3A_121 = arith.subf %neg3A_120, %add3A_118 : vector<1024x64xf32>
    %exp3A_122 = math.exp %neg3A_121 : vector<1024x64xf32>
    %add3A_123 = arith.constant 1.000000e+00 : f32
    %add3A_124 = vector.broadcast %add3A_123 : f32 to vector<1024x64xf32>
    %add3A_125 = arith.addf %add3A_124, %exp3A_122 : vector<1024x64xf32>
    %div3A_126 = arith.constant 1.000000e+00 : f32
    %div3A_127 = vector.broadcast %div3A_126 : f32 to vector<1024x64xf32>
    %div3A_128 = arith.divf %div3A_127, %add3A_125 : vector<1024x64xf32>
    %dot_general3A_129 = arith.constant dense<0.000000e+00> : vector<1024x32xf32>
    %dot_general3A_130 = tpu.matmul %div3A_128, %get3A_10, %dot_general3A_129 {dimension_numbers = #tpu.dot_dimension_numbers<[1], [0], [0], [1], [0, 0, 1, 1], [], []>, transpose_lhs_hint = false} : vector<1024x64xf32>, vector<64x32xf32>, vector<1024x32xf32> -> vector<1024x32xf32>
    %add3A_131 = vector.broadcast %get3A_13 : vector<1x32xf32> to vector<1024x32xf32>
    %add3A_132 = arith.addf %dot_general3A_130, %add3A_131 : vector<1024x32xf32>
    %neg3A_133 = arith.constant 0.000000e+00 : f32
    %neg3A_134 = vector.broadcast %neg3A_133 : f32 to vector<1024x32xf32>
    %neg3A_135 = arith.subf %neg3A_134, %add3A_132 : vector<1024x32xf32>
    %exp3A_136 = math.exp %neg3A_135 : vector<1024x32xf32>
    %add3A_137 = arith.constant 1.000000e+00 : f32
    %add3A_138 = vector.broadcast %add3A_137 : f32 to vector<1024x32xf32>
    %add3A_139 = arith.addf %add3A_138, %exp3A_136 : vector<1024x32xf32>
    %div3A_140 = arith.constant 1.000000e+00 : f32
    %div3A_141 = vector.broadcast %div3A_140 : f32 to vector<1024x32xf32>
    %div3A_142 = arith.divf %div3A_141, %add3A_139 : vector<1024x32xf32>
    %transpose3A_143 = tpu.transpose %div3A_142, [1, 0] : vector<1024x32xf32> -> vector<32x1024xf32>
    %swap3A_144 = arith.constant 0 : index
    %swap3A_145 = arith.constant 0 : index
    %swap3A_146 = arith.constant 3072 : index
    %swap3A_147 = vector.load %arg7[%swap3A_144, %swap3A_145, %swap3A_146] : memref<1x32x4096xf32, #tpu.memory_space<vmem>>, vector<1x32x1024xf32>
    %swap3A_148 = vector.shape_cast %swap3A_147 : vector<1x32x1024xf32> to vector<32x1024xf32>
    %swap3A_149 = vector.shape_cast %transpose3A_143 : vector<32x1024xf32> to vector<1x32x1024xf32>
    tpu.vector_store %arg7[%swap3A_144, %swap3A_145, %swap3A_146], %swap3A_149 {strides = array<i32>} : memref<1x32x4096xf32, #tpu.memory_space<vmem>>, vector<1x32x1024xf32>,
    return
  }
  func.func @transform_0(%arg0: i32, %arg1: i32) -> (i32, i32) {
    %mul3A = arith.constant 4 : i32
    %mul3A_0 = arith.muli %arg0, %mul3A : i32
    %add3A = arith.addi %mul3A_0, %arg1 : i32
    %c0_i32 = arith.constant 0 : i32
    %c0_i32_1 = arith.constant 0 : i32
    return %add3A, %c0_i32 : i32, i32
  }
  func.func @transform_1(%arg0: i32, %arg1: i32) -> (i32, i32) {
    %c0_i32 = arith.constant 0 : i32
    %c0_i32_0 = arith.constant 0 : i32
    %c0_i32_1 = arith.constant 0 : i32
    return %c0_i32, %c0_i32_0 : i32, i32
  }
  func.func @transform_2(%arg0: i32, %arg1: i32) -> (i32, i32) {
    %c0_i32 = arith.constant 0 : i32
    %c0_i32_0 = arith.constant 0 : i32
    %c0_i32_1 = arith.constant 0 : i32
    return %c0_i32, %c0_i32_0 : i32, i32
  }
  func.func @transform_3(%arg0: i32, %arg1: i32) -> (i32, i32) {
    %c0_i32 = arith.constant 0 : i32
    %c0_i32_0 = arith.constant 0 : i32
    %c0_i32_1 = arith.constant 0 : i32
    return %c0_i32, %c0_i32_0 : i32, i32
  }
  func.func @transform_4(%arg0: i32, %arg1: i32) -> (i32, i32) {
    %c0_i32 = arith.constant 0 : i32
    %c0_i32_0 = arith.constant 0 : i32
    %c0_i32_1 = arith.constant 0 : i32
    return %c0_i32, %c0_i32_0 : i32, i32
  }
  func.func @transform_5(%arg0: i32, %arg1: i32) -> (i32, i32, i32) {
    %c0_i32 = arith.constant 0 : i32
    %c0_i32_0 = arith.constant 0 : i32
    return %arg0, %c0_i32, %arg1 : i32, i32, i32
  }
}

</mosaic_0001>

<sc_bundles>
// kernel: kernel.5.cloned.1.call-start
scs
__scs_entry_jumppad:
0x0: {  	(pc) =	sbr.rel $0x88, $3  }
0x1: {  	(tag) =	ssettag $0x0;
	lr =	simm.s32 $0x1  }
0x2: {  	[smem:$0x3F9B] =	sst lr;
	_ =	strace $0xD0000000  }
0x3: {  	_ = 	snop  }
0x4: {  	_ = 	snop  }
0x5: {  	_ = 	snop  }
0x6: {  	_ = 	snop  }
0x7: {  	_ = 	snop  }
__scs_overlays_trampoline_lowered:
0x8: {  	[smem:$0x3FAA] =	sst s0  }
0x9: {  	[smem:$0x3FAB] =	sst s1  }
0xa: {  	[smem:$0x3FAC] =	sst s2  }
0xb: {  	[smem:$0x3FAD] =	sst s3  }
0xc: {  	[smem:$0x3FAE] =	sst s4  }
0xd: {  	[smem:$0x3FAF] =	sst s5  }
0xe: {  	[smem:$0x3FB0] =	sst s6  }
0xf: {  	[smem:$0x3FB1] =	sst s7  }
0x10: {  	[smem:$0x3FB2] =	sst s8  }
0x11: {  	[smem:$0x3FB3] =	sst s9;
	s0 =	simm.s32 @!p0 $0x0  }
0x12: {  	s1 =	sld [smem:$0x3F99];
	s0 =	simm.s32 @p0 $0x1  }
0x13: {  	[smem:$0x3FB4] =	sst s0;
	s0 =	simm.s32 @!p1 $0x0  }
0x14: {  	s2 =	sld [smem:$0x3F98];
	s0 =	simm.s32 @p1 $0x1  }
0x15: {  	[smem:$0x3FB5] =	sst s0;
	s0 =	simm.s32 @!p2 $0x0  }
0x16: {  	s3 =	sld [smem:$0x3FDB];
	s0 =	simm.s32 @p2 $0x1  }
0x17: {  	s4 =	simm.s32 $0x1BF5;
	[smem:$0x3FB7] =	sst s0  }
0x18: {  	s0 =	sld [smem:$0x3F9A];
	_ =	swait.ge [sflag:s4], $0x0  }
0x19: {  	s7 =	sld [smem:$0x3F9B]  }
0x1a: {  	s8 =	sadd.s32 $0xFFFFE003, lr  }
0x1b: {  	s9 =	sadd.s32 $0xFFFFFEF7, lr;
	s5 =	simm.s32 $0xFFFFFFFF;
	p2 =	slt.u32 s8, $0xFFFFF086  }
0x1c: {  	p1 =	slt.u32 s9, $0xF7A;
	s5 =	simm.s32 @!p2 $0x0  }
0x1d: {  	s5 =	simm.s32 @p1 $0x1;
	p0 =	seq.s32 s7, s2  }
0x1e: {  	s7 =	smul.u32 @!p0 $0xF7A, s2;
	p2 =	seq.s32 @!p0 s5, $0x0  }
0x1f: {  	s9 =	smul.u32 $0xF7A, s1;
	s8 =	simm.s32 @!p0 $0x1BF5;
	p2 =	por !p2, p0  }
0x20: {  	[sflag:s8] =	ssyncset.s32 @!p0 $0xFFFFF086;
	s6 =	sadd.s32 @!p0 s3, s7;
	s7 =	simm.s32 @!p0 $0x108  }
0x21: {  	s3 =	sadd.s32 s3, s9;
	s6 =	sadd.s32 @!p0 $0x88, s6;
	s7 =	simm.s32 @p2 $0x1082  }
0x22: {  	[simem:s7], [sflag:s8] =	dma.local @!p0 [hbm:s6], $0xF7A  }
0x23: {  	s9 =	sor.u32 $0xD0000000, s2;
	s6 =	simm.s32 $0x108;
	_ =	swait.ge @!p0 [sflag:s8], $0x0  }
0x24: {  	s3 =	sadd.s32 $0x88, s3;
	s6 =	simm.s32 @!p1 $0x1082;
	[sflag:s4] =	ssyncset.s32 $0xFFFFF086  }
0x25: {  	[simem:s6], [sflag:s4] =	dma.local [hbm:s3], $0xF7A  }
0x26: {  	[smem:$0x3F9B] =	sst s1;
	(tag) =	ssettag s2;
	_ =	strace s9  }
0x27: {  	s1 =	sld [smem:$0x3FAB]  }
0x28: {  	s2 =	sld [smem:$0x3FAC]  }
0x29: {  	s4 =	sld [smem:$0x3FAE]  }
0x2a: {  	p0 =	seq.s32 s5, $0x0;
	s5 =	sld [smem:$0x3FAF]  }
0x2b: {  	s6 =	sld [smem:$0x3FB0]  }
0x2c: {  	s7 =	sld [smem:$0x3FB1]  }
0x2d: {  	s3 =	simm.s32 $0x108;
	s8 =	sld [smem:$0x3FB2]  }
0x2e: {  	s3 =	simm.s32 @!p0 $0x1082;
	s9 =	sld [smem:$0x3FB3]  }
0x2f: {  	lr =	sadd.s32 s0, s3;
	s0 =	sld [smem:$0x3FAA]  }
0x30: {  	s3 =	sld [smem:$0x3FAD]  }
0x31: {  	[smem:$0x3FB6] =	sst s10  }
0x32: {  	s10 =	sld [smem:$0x3FB4];
	_ =	sdelay $0x3  }
0x33: {  	p0 =	seq.s32 s10, $0x1;
	s10 =	sld [smem:$0x3FB6];
	_ =	sdelay $0x3  }
0x34: {  	[smem:$0x3FB6] =	sst s10  }
0x35: {  	s10 =	sld [smem:$0x3FB5];
	_ =	sdelay $0x3  }
0x36: {  	p1 =	seq.s32 s10, $0x1;
	s10 =	sld [smem:$0x3FB6];
	_ =	sdelay $0x3  }
0x37: {  	[smem:$0x3FB6] =	sst s10  }
0x38: {  	s10 =	sld [smem:$0x3FB7]  }
0x39: {  	_ = 	snop;
	(pc) =	sbr.ind lr, $3  }
0x3a: {  	_ = 	snop  }
0x3b: {  	_ = 	snop  }
0x3c: {  	p2 =	seq.s32 s10, $0x1;
	s10 =	sld [smem:$0x3FB6]  }
0x3d: {  	_ =	shalt  }
0x3e: {  	_ =	shalt  }
0x3f: {  	_ =	shalt  }
0x40: {  	_ =	shalt  }
0x41: {  	_ =	shalt  }
0x42: {  	_ =	shalt  }
0x43: {  	_ =	shalt  }
0x44: {  	_ =	shalt  }
0x45: {  	_ =	shalt  }
0x46: {  	_ =	shalt  }
0x47: {  	_ =	shalt  }
0x48: {  	_ =	shalt  }
0x49: {  	_ =	shalt  }
0x4a: {  	_ =	shalt  }
0x4b: {  	_ =	shalt  }
0x4c: {  	_ =	shalt  }
0x4d: {  	_ =	shalt  }
0x4e: {  	_ =	shalt  }
0x4f: {  	_ =	shalt  }
0x50: {  	_ =	shalt  }
0x51: {  	_ =	shalt  }
0x52: {  	_ =	shalt  }
0x53: {  	_ =	shalt  }
0x54: {  	_ =	shalt  }
0x55: {  	_ =	shalt  }
0x56: {  	_ =	shalt  }
0x57: {  	_ =	shalt  }
0x58: {  	_ =	shalt  }
0x59: {  	_ =	shalt  }
0x5a: {  	_ =	shalt  }
0x5b: {  	_ =	shalt  }
0x5c: {  	_ =	shalt  }
0x5d: {  	_ =	shalt  }
0x5e: {  	_ =	shalt  }
0x5f: {  	_ =	shalt  }
0x60: {  	_ =	shalt  }
0x61: {  	_ =	shalt  }
0x62: {  	_ =	shalt  }
0x63: {  	_ =	shalt  }
0x64: {  	_ =	shalt  }
0x65: {  	_ =	shalt  }
0x66: {  	_ =	shalt  }
0x67: {  	_ =	shalt  }
0x68: {  	_ =	shalt  }
0x69: {  	_ =	shalt  }
0x6a: {  	_ =	shalt  }
0x6b: {  	_ =	shalt  }
0x6c: {  	_ =	shalt  }
0x6d: {  	_ =	shalt  }
0x6e: {  	_ =	shalt  }
0x6f: {  	_ =	shalt  }
0x70: {  	_ =	shalt  }
0x71: {  	_ =	shalt  }
0x72: {  	_ =	shalt  }
0x73: {  	_ =	shalt  }
0x74: {  	_ =	shalt  }
0x75: {  	_ =	shalt  }
0x76: {  	_ =	shalt  }
0x77: {  	_ =	shalt  }
0x78: {  	_ =	shalt  }
0x79: {  	_ =	shalt  }
0x7a: {  	_ =	shalt  }
0x7b: {  	_ =	shalt  }
0x7c: {  	_ =	shalt  }
0x7d: {  	_ =	shalt  }
0x7e: {  	_ =	shalt  }
0x7f: {  	_ =	shalt  }
0x80: {  	_ =	shalt  }
0x81: {  	_ =	shalt  }
0x82: {  	_ =	shalt  }
0x83: {  	_ =	shalt  }
0x84: {  	_ =	shalt  }
0x85: {  	_ =	shalt  }
0x86: {  	_ =	shalt  }
0x87: {  	_ =	shalt  }
.Lfunc_end0:
.L_simem_size_0:
called_computation_lowered:
.L_overlay_start_0:
0x88: {  	s2 =	sld [smem:$0x3FD9]  }
0x89: {  	s3 =	sld [smem:$0x3FFE];
	_ =	sdelay $0x1  }
0x8a: {  	s1 =	srdreg.scid  }
0x8b: {  	s0 =	sand.u32 $0x1, s1  }
0x8c: {  	s17 =	sshll.u32 s0, $0xA;
	s2 =	sadd.s32 s3, s2  }
0x8d: {  	s2 =	sadd.s32 s2, s17  }
0x8e: {  	[smem:$0x3FC2] =	sst s2  }
0x8f: {  	_ = 	snop  }
0x90: {  	s2 =	sld [smem:$0x3FC8];
	(tm) =	ssettm $0x1  }
0x91: {  	s18 =	sld [smem:$0x3FFB];
	_ =	sdelay $0x3  }
0x92: {  	_ =	strace s18  }
0x93: {  	s3 =	sld [smem:$0x3FFC];
	_ =	sdelay $0x3  }
0x94: {  	_ =	strace s3  }
0x95: {  	s3 =	sld [smem:$0x3FFD];
	_ =	sdelay $0x3  }
0x96: {  	_ =	strace s3  }
0x97: {  	_ =	strace $0x8FFFFFFF  }
0x98: {  	s19 =	sld [smem:$0x3FDB];
	_ =	sdelay $0x1  }
0x99: {  	s4 =	simm.s32 $_scs_section_size  }
0x9a: {  	s5 =	simm.s32 $_size__tile_overlayer_lowered;
	s6 =	simm.s32 $_tile_overlayer_lowered  }
0x9b: {  	s22 =	simm.s32 $0x1BFF;
	s21 =	sshll.u32 s6, $0x1;
	s3 =	sadd.s32 s4, s19  }
0x9c: {  	s7 =	simm.s32 $0x0;
	s20 =	sshll.u32 s5, $0x1;
	s5 =	sadd.s32 s21, s3  }
0x9d: {  	[timem:s7], [sflag:s22] =	dma.local [hbm:s5], s20  }
0x9e: {  	_ =	swait.ge [sflag:s22], s20  }
0x9f: {  	s4 =	ssub.s32 $0x0, s20;
	[sflag:s22] =	ssyncset.done $0x0  }
0xa0: {  	[sflag:s22] =	ssyncadd.s32 s4;
	_ =	sdelay $0x1  }
0xa1: {  	s23 =	simm.s32 $0x1B8B  }
0xa2: {  	_ =	swait.ge [sflag:s23], $0x1  }
0xa3: {  	[sflag:s23] =	ssyncset.done $0x0  }
0xa4: {  	s25 =	simm.s32 $0x1B8E;
	s24 =	sld [smem:$0x3FFE];
	[sflag:s23] =	ssyncadd.s32 $0xFFFFFFFF  }
0xa5: {  	s26 =	simm.s32 $execute0_lowered;
	[smem:$0x3FD2] =	sst s25  }
0xa6: {  	s5 =	sshll.u32 s26, $0x1;
	_ =	strace $0x80000046;
	[dreg:$0x1] =	wrdreg $0xFFFFFFFF  }
0xa7: {  	s28 =	simm.s32 $_size_execute0_lowered;
	s3 =	sadd.s32 s3, s5;
	[dreg:$0x0] =	wrdreg $0x0  }
0xa8: {  	s5 =	sshll.u32 s28, $0x1;
	[dreg:$0x2] =	wrdreg s3  }
0xa9: {  	[dreg:$0x3] =	wrdreg s5  }
0xaa: {  	[dreg:$0x4] =	wrdreg $0xC0  }
0xab: {  	_ =	task [dreg:s7], $0x5FFFF  }
0xac: {  	[dreg:$0x1] =	wrdreg $0xFFFFFFFF  }
0xad: {  	[dreg:$0x0] =	wrdreg $0x60  }
0xae: {  	[dreg:$0x2] =	wrdreg s2  }
0xaf: {  	[dreg:$0x3] =	wrdreg s24  }
0xb0: {  	[dreg:$0x4] =	wrdreg $0x9  }
0xb1: {  	_ =	task.clear_ibuf [dreg:s7], $0x5FFFF;
	_ =	strace $0x90000046  }
0xb2: {  	s29 =	simm.s32 $0x9;
	_ =	strace $0x80000048  }
0xb3: {  	_ =	swait.ge [sflag:s29], $0x1  }
0xb4: {  	[sflag:s29] =	ssyncadd.s32 $0xFFFFFFFF  }
0xb5: {  	_ =	strace $0x90000048  }
0xb6: {  	_ =	sfence  }
0xb7: {  	s30 =	sld [smem:$0x0];
	_ =	sdelay $0x2  }
0xb8: {  	s31 =	sshll.u32 s1, $0xD;
	s1 =	sshrl.u32 s1, $0x2  }
0xb9: {  	s3 =	sand.u32 $0x4000, s31;
	s1 =	sadd.s32 s1, s30  }
0xba: {  	s0 =	sor.u32 s3, s0;
	s1 =	sshll.u32 s1, $0x11  }
0xbb: {  	s0 =	sor.u32 s1, s0  }
0xbc: {  	s0 =	sadd.s32 $0x8F2B, s0  }
0xbd: {  	[sflag:s0] =	ssyncadd.remote.s32 $0x1  }
0xbe: {  	_ =	sfence.sel $0xFFFF  }
0xbf: {  	[dreg:$0x0] =	wrdreg $0xFFFFFFFF;
	(pc) =	sbr.abs _section_cstart, $3  }
0xc0: {  	[dreg:$0x1] =	wrdreg $0xFFFFFFFF  }
0xc1: {  	_ =	task.clear_ibuf [dreg:s7], $0x2FFFF;
	_ =	strace $0x9FFFFFFF  }
0xc2: {  	(tm) =	ssettm $0x7FFFFFFF  }
0xc3: {  	_ =	shalt  }
tec
execute0_lowered:
.L_overlay_start_1:
0x0: {  	(tag) =	ssettag $0x1  }
0x1: {  	s5 =	rddreg [dreg:$0x0]  }
0x2: {  	s11 =	rddreg [dreg:$0x1]  }
0x3: {  	s2 =	simm.s32 $0x0;
	s3 =	srdreg.scid;
	s1 =	stileid.u32  }
0x4: {  	s14 =	simm.s32 $0x400;
	s15 =	simm.s32 $0x7A1400;
	s16 =	simm.s32 $0x1000  }
0x5: {  	s17 =	simm.s32 $0x1;
	s18 =	simm.s32 $0x2000;
	s19 =	simm.s32 $0x2  }
0x6: {  	s20 =	simm.s32 $0x3000;
	s21 =	simm.s32 $0x3;
	s23 =	simm.s32 $0x0  }
0x7: {  	[smem:$0x7FF] =	sst s2;
	s4 =	sand.u32 $0x1, s3;
	s6 =	sshll.u32 s1, $0x1  }
0x8: {  	s3 =	sadd.s32 $0x1200, s11;
	p0 =	slt.u32 s1, $0x2;
	p1 =	sgt.u32 s1, $0x1  }
0x9: {  	_ =	strace $0x80000047;
	s7 =	ssub.s32 $0x2, s4;
	s22 =	sor.u32 s4, s6  }
0xa: {  	s4 =	sadd.s32 $0x1400, s11;
	s11 =	sadd.s32 $0x3D1C00, s11;
	s31 =	sshrl.u32 s7, $0x1  }
.Ltmp0:
0xb: {  	s8 =	sshll.u32 s22, $0x7;
	s13 =	sshll.u32 s22, $0x9;
	(pc) =	sbr.rel .LBB2_1-.Ltmp0, $4  }
0xc: {  	v0 =	vlaneseq.u32;
	p2 =	sne.s32 s22, $0x0;
	s22 =	simm.s32 $0x4;
	s12 =	ssub.s32 s7, s31  }
0xd: {  	v0 =	vmul.u32 $0x80, v0;
	s5 =	sadd.s32 s5, s8;
	s8 =	sadd.s32 s4, s13;
	s13 =	sor.u32 $0x4000, s13  }
0xe: {  	s6 =	sadd.s32 $0x1000, s5;
	s7 =	sadd.s32 $0x2000, s5;
	s0 =	sadd.s32 $0x3D0000, s8  }
0xf: {  	v1 =	vor.u32 $0x800, v0;
	s9 =	sadd.s32 $0x3000, s5;
	s12 =	smax.u32 s12, $0x1;
	[dreg:$0x3] =	wrdreg s0  }
.LBB2_11:
0x10: {  	_ =	swait.ge [sflag:s21], $0x1000  }
0x11: {  	[sflag:s21] =	ssyncset.done $0x0  }
0x12: {  	[sflag:s21] =	ssyncadd.s32 $0xFFFFF000  }
0x13: {  	_ =	swait.ge [sflag:s22], $0x1000  }
0x14: {  	s0 =	sshll.u32 @!p2 s1, $0x6;
	s23 =	sadd.s32 $0x1, s23;
	[sflag:s22] =	ssyncset.done $0x0  }
0x15: {  	s0 =	sor.u32 @!p2 $0x1C05, s0;
	p3 =	sne.s32 s23, s12;
	[sflag:s22] =	ssyncadd.s32 $0xFFFFF000  }
0x16: {  	[hbm:s11], [sflag:s0] =	dma.local @!p2 [hbm:s3], $0x100  }
.Ltmp1:
0x17: {  	_ = 	snop;
	(pc) =	sbr.rel @!p3 .LBB2_12-.Ltmp1, $4  }
0x18: {  	s0 =	simm.s32 @!p2 $0x5  }
0x19: {  	_ =	swait.ge @!p2 [sflag:s0], $0x100  }
0x1a: {  	[sflag:s0] =	ssyncset.done @!p2 $0x0  }
0x1b: {  	[sflag:s0] =	ssyncadd.s32 @!p2 $0xFFFFFF00  }
.LBB2_1:
0x1c: {  	[tilespmem:s2], [sflag:$0x1] =	stream.strided.gather [hbm4b:s5+s14], $0x1000, s15, s14, $0x38;
	[tilespmem:$0x4000] =	vst v63  }
0x1d: {  	s24 =	simm.s32 $0x0  }
0x1e: {  	[tilespmem:s16], [sflag:$0x2] =	stream.strided.gather [hbm4b:s6+s14], $0x1000, s15, s14, $0x38;
	[tilespmem:$0x4000] =	vst v63  }
.LBB2_2:
0x1f: {  	s25 =	simm.s32 $0x0  }
0x20: {  	s26 =	simm.s32 $0x1;
	v2 =	vmov s25  }
0x21: {  	v3 =	vmov s26;
	v2 =	vand.u32 $0x7C, v2  }
0x22: {  	s31 =	simm.s32 $0x2;
	v3 =	vand.u32 $0x7D, v3;
	v2 =	vbroadcast v2, $0x0  }
0x23: {  	_ =	swait.ge [sflag:s17], $0x1000;
	v4 =	vmov s31;
	v3 =	vbroadcast v3, $0x0  }
0x24: {  	p3 =	seq.s32 s24, $0x0;
	[sflag:s17] =	ssyncset.done $0x0;
	v4 =	vand.u32 $0x7E, v4;
	v5 =	vor.u32 v0, v2  }
0x25: {  	s25 =	simm.s32 @!p3 $0x3;
	s26 =	simm.s32 $0x3;
	[sflag:s17] =	ssyncadd.s32 $0xFFFFF000;
	v4 =	vbroadcast v4, $0x0;
	v6 =	vor.u32 v0, v3  }
0x26: {  	s0 =	simm.s32 $0x4;
	v7 =	vmov s26;
	_ =	swait.ge @!p3 [sflag:s25], $0x1000;
	v3 =	vor.u32 v1, v3  }
0x27: {  	v9 =	vmov s0;
	v7 =	vand.u32 $0x7F, v7;
	[sflag:s25] =	ssyncset.done @!p3 $0x0;
	v8 =	vor.u32 v0, v4  }
0x28: {  	s10 =	simm.s32 $0x5;
	v9 =	vand.u32 $0x7C, v9;
	v7 =	vbroadcast v7, $0x0;
	[sflag:s25] =	ssyncadd.s32 @!p3 $0xFFFFF000;
	v4 =	vor.u32 v1, v4  }
0x29: {  	v10 =	vmov s10;
	v9 =	vbroadcast v9, $0x0;
	v2 =	vor.u32 v1, v2;
	v5 =	vld.idx.msk [tilespmem:v5+s2+$0x0], $0xffff  }
0x2a: {  	s26 =	simm.s32 $0x6;
	v10 =	vand.u32 $0x7D, v10;
	v11 =	vor.u32 v1, v7;
	v6 =	vld.idx.msk [tilespmem:v6+s2+$0x0], $0xffff  }
0x2b: {  	v12 =	vmov s26;
	v10 =	vbroadcast v10, $0x0;
	v13 =	vor.u32 v0, v9;
	v3 =	vld.idx.msk [tilespmem:v3+s2+$0x0], $0xffff  }
0x2c: {  	v12 =	vand.u32 $0x7E, v12;
	v7 =	vor.u32 v0, v7;
	v8 =	vld.idx.msk [tilespmem:v8+s2+$0x0], $0xffff  }
0x2d: {  	s31 =	simm.s32 $0x7;
	s26 =	simm.s32 $0x2040;
	v12 =	vbroadcast v12, $0x0;
	v14 =	vor.u32 v0, v10;
	v10 =	vor.u32 v1, v10;
	v4 =	vld.idx.msk [tilespmem:v4+s2+$0x0], $0xffff  }
0x2e: {  	s0 =	simm.s32 $0x8;
	v17 =	vor.u32 v1, v9;
	v15 =	vld.idx.msk [tilespmem:v2+s2+$0x0], $0xffff;
	v2 =	vmov s31;
	[tilespmem:s26+$0xFFFFFFC0] =	vst v5  }
0x2f: {  	v9 =	vor.u32 v0, v12;
	v16 =	vld.idx.msk [tilespmem:v11+s2+$0x0], $0xffff;
	v2 =	vand.u32 $0x7F, v2;
	v5 =	vmov s0;
	[tilespmem:s26+$0xFFFFFFE0] =	vst v6  }
0x30: {  	s28 =	simm.s32 $0xA;
	s10 =	simm.s32 $0x9;
	v19 =	vor.u32 v1, v12;
	v18 =	vld.idx.msk [tilespmem:v13+s2+$0x0], $0xffff;
	v6 =	vbroadcast v2, $0x0;
	[tilespmem:s26+$0xFFFFFFF0] =	vst v3;
	v2 =	vand.u32 $0x7C, v5  }
0x31: {  	v11 =	vmov s10;
	v3 =	vmov s28;
	[tilespmem:s26+$0x0] =	vst v8;
	v5 =	vld.idx.msk [tilespmem:v7+s2+$0x0], $0xffff;
	v7 =	vbroadcast v2, $0x0  }
0x32: {  	s31 =	simm.s32 $0xB;
	v11 =	vand.u32 $0x7D, v11;
	[tilespmem:s26+$0x10] =	vst v4;
	v12 =	vand.u32 $0x7E, v3;
	v3 =	vld.idx.msk [tilespmem:v10+s2+$0x0], $0xffff;
	v8 =	vor.u32 v1, v6  }
0x33: {  	[tilespmem:s26+$0xFFFFFFD0] =	vst v15;
	v15 =	vmov s31;
	v2 =	vld.idx.msk [tilespmem:v14+s2+$0x0], $0xffff;
	v14 =	vbroadcast v11, $0x0;
	v10 =	vor.u32 v0, v7  }
0x34: {  	s28 =	simm.s32 $0x20C0;
	[tilespmem:s26+$0x30] =	vst v16;
	v16 =	vand.u32 $0x7F, v15;
	v15 =	vld.idx.msk [tilespmem:v17+s2+$0x0], $0xffff;
	v4 =	vor.u32 v0, v6;
	v13 =	vbroadcast v12, $0x0  }
0x35: {  	[tilespmem:s28+$0xFFFFFFC0] =	vst v18;
	v6 =	vld.idx.msk [tilespmem:v9+s2+$0x0], $0xffff;
	v11 =	vor.u32 v0, v14  }
0x36: {  	s29 =	simm.s32 $0x10;
	s30 =	simm.s32 $0xC;
	s25 =	sshll.u32 s24, $0xD;
	v12 =	vor.u32 v1, v7;
	v7 =	vld.idx.msk [tilespmem:v19+s2+$0x0], $0xffff;
	v14 =	vor.u32 v1, v14;
	v9 =	vor.u32 v0, v13  }
.LBB2_3:
0x37: {  	v17 =	vmov s30;
	s31 =	sadd.s32 $0x2, s30;
	s29 =	sadd.s32 $0x8, s29;
	v16 =	vbroadcast v16, $0x0;
	v18 =	vld.idx.msk [tilespmem:v8+s2+$0x0], $0xffff;
	[tilespmem:s26+$0x20] =	vst v5;
	v19 =	vmov v12;
	s26 =	smov.u32 s28  }
0x38: {  	s0 =	sadd.s32 $0x1, s30;
	v20 =	vor.u32 v1, v13;
	v5 =	vand.u32 $0x7C, v17;
	v12 =	vmov s31;
	p4 =	slt.u32 s29, $0xF8;
	v17 =	vld.idx.msk [tilespmem:v10+s2+$0x0], $0xffff;
	[tilespmem:s28+$0xFFFFFFE0] =	vst v2  }
0x39: {  	v2 =	vmov s0;
	v13 =	vbroadcast v5, $0x0;
	v8 =	vor.u32 v1, v16;
	[tilespmem:s28+$0xFFFFFFF0] =	vst v3;
	v5 =	vld.idx.msk [tilespmem:v4+s2+$0x0], $0xffff  }
.Ltmp2:
0x3a: {  	v3 =	vand.u32 $0x7D, v2;
	v21 =	vand.u32 $0x7E, v12;
	v2 =	vld.idx.msk [tilespmem:v11+s2+$0x0], $0xffff;
	[tilespmem:s28+$0x0] =	vst v6;
	(pc) =	sbr.rel @p4 .LBB2_3-.Ltmp2, $4  }
0x3b: {  	v4 =	vor.u32 v0, v16;
	v22 =	vbroadcast v3, $0x0;
	v10 =	vor.u32 v0, v13;
	v3 =	vld.idx.msk [tilespmem:v14+s2+$0x0], $0xffff;
	[tilespmem:s28+$0x10] =	vst v7  }
0x3c: {  	s0 =	sadd.s32 $0x3, s30;
	v12 =	vor.u32 v1, v13;
	v13 =	vbroadcast v21, $0x0;
	v6 =	vld.idx.msk [tilespmem:v9+s2+$0x0], $0xffff;
	[tilespmem:s28+$0xFFFFFFD0] =	vst v15  }
0x3d: {  	v11 =	vor.u32 v0, v22;
	v15 =	vmov s0;
	s28 =	sadd.s32 $0x80, s28;
	v7 =	vld.idx.msk [tilespmem:v20+s2+$0x0], $0xffff;
	[tilespmem:s26+$0x30] =	vst v18  }
0x3e: {  	s30 =	sadd.s32 $0x4, s30;
	v14 =	vor.u32 v1, v22;
	v9 =	vor.u32 v0, v13;
	v16 =	vand.u32 $0x7F, v15;
	[tilespmem:s28+$0xFFFFFFC0] =	vst v17;
	v15 =	vld.idx.msk [tilespmem:v19+s2+$0x0], $0xffff  }
0x3f: {  	_ =	sdelay $0x2  }
0x40: {  	[tilespmem:s26+$0x20] =	vst v5  }
0x41: {  	v5 =	vld.idx.msk [tilespmem:v8+s2+$0x0], $0xffff;
	[tilespmem:s28+$0xFFFFFFE0] =	vst v2  }
0x42: {  	v2 =	vbroadcast v16, $0x0;
	v8 =	vld.idx.msk [tilespmem:v10+s2+$0x0], $0xffff;
	v10 =	vor.u32 v1, v13;
	[tilespmem:s28+$0xFFFFFFF0] =	vst v3  }
0x43: {  	v9 =	vld.idx.msk [tilespmem:v9+s2+$0x0], $0xffff;
	[tilespmem:s28+$0x0] =	vst v6  }
0x44: {  	v3 =	vld.idx.msk [tilespmem:v4+s2+$0x0], $0xffff;
	v4 =	vor.u32 v1, v2;
	[tilespmem:s28+$0x10] =	vst v7  }
0x45: {  	v6 =	vld.idx.msk [tilespmem:v11+s2+$0x0], $0xffff;
	v2 =	vor.u32 v0, v2;
	[tilespmem:s28+$0xFFFFFFD0] =	vst v15  }
0x46: {  	s0 =	sadd.s32 $0x80, s28;
	v7 =	vld.idx.msk [tilespmem:v14+s2+$0x0], $0xffff;
	[tilespmem:s28+$0x30] =	vst v5  }
0x47: {  	v5 =	vld.idx.msk [tilespmem:v10+s2+$0x0], $0xffff;
	[tilespmem:s0+$0xFFFFFFC0] =	vst v8  }
0x48: {  	v8 =	vld.idx.msk [tilespmem:v12+s2+$0x0], $0xffff;
	[tilespmem:s0+$0x0] =	vst v9  }
0x49: {  	[tilespmem:s28+$0x20] =	vst v3;
	v3 =	vld.idx.msk [tilespmem:v4+s2+$0x0], $0xffff  }
0x4a: {  	[tilespmem:s0+$0xFFFFFFE0] =	vst v6;
	v2 =	vld.idx.msk [tilespmem:v2+s2+$0x0], $0xffff  }
0x4b: {  	[tilespmem:s0+$0xFFFFFFF0] =	vst v7  }
0x4c: {  	[tilespmem:s0+$0x10] =	vst v5  }
0x4d: {  	p4 =	seq.s32 @!p0 s24, $0x79;
	[tilespmem:s0+$0xFFFFFFD0] =	vst v8  }
0x4e: {  	s10 =	simm.s32 $0x0;
	p4 =	por p0, !p4;
	[tilespmem:s0+$0x30] =	vst v3  }
0x4f: {  	s26 =	sshll.u32 s24, $0xF;
	[tilespmem:s0+$0x20] =	vst v2;
	s0 =	sadd.s32 @p4 s25, s7;
	v2 =	vmov s10;
	s10 =	simm.s32 $0x1  }
0x50: {  	[tilespmem:s2], [sflag:$0x1] =	stream.strided.gather @p4 [hbm4b:s0+s14], $0x1000, s15, s14, $0x38;
	[tilespmem:$0x4000] =	vst v63  }
0x51: {  	s28 =	sadd.s32 s26, s8;
	v2 =	vand.u32 $0x7C, v2;
	v3 =	vmov s10  }
0x52: {  	v2 =	vbroadcast v2, $0x0;
	v3 =	vand.u32 $0x7D, v3;
	[hbm4b:s28+s2] =	stream.linear.scatter [tilespmem:s18], [sflag:$0x3], $0x1000, $0x38;
	[tilespmem:$0x4000] =	vst v63  }
0x53: {  	s10 =	simm.s32 $0x2;
	v3 =	vbroadcast v3, $0x0;
	_ =	swait.ge [sflag:s19], $0x1000  }
0x54: {  	v4 =	vmov s10;
	v5 =	vor.u32 v0, v2;
	[sflag:s19] =	ssyncset.done $0x0  }
0x55: {  	s0 =	simm.s32 @!p3 $0x4;
	v4 =	vand.u32 $0x7E, v4;
	s28 =	simm.s32 $0x3;
	v6 =	vor.u32 v0, v3;
	[sflag:s19] =	ssyncadd.s32 $0xFFFFF000  }
0x56: {  	v4 =	vbroadcast v4, $0x0;
	v7 =	vmov s28;
	s28 =	simm.s32 $0x4;
	v3 =	vor.u32 v1, v3;
	_ =	swait.ge @!p3 [sflag:s0], $0x1000  }
0x57: {  	v2 =	vor.u32 v1, v2;
	v7 =	vand.u32 $0x7F, v7;
	v9 =	vmov s28;
	[sflag:s0] =	ssyncset.done @!p3 $0x0  }
0x58: {  	s10 =	simm.s32 $0x5;
	v8 =	vor.u32 v0, v4;
	v7 =	vbroadcast v7, $0x0;
	v9 =	vand.u32 $0x7C, v9;
	[sflag:s0] =	ssyncadd.s32 @!p3 $0xFFFFF000  }
0x59: {  	v10 =	vmov s10;
	v4 =	vor.u32 v1, v4;
	v9 =	vbroadcast v9, $0x0;
	v5 =	vld.idx.msk [tilespmem:v5+s16+$0x0], $0xffff  }
0x5a: {  	s10 =	simm.s32 $0x6;
	v10 =	vand.u32 $0x7D, v10;
	v11 =	vor.u32 v1, v7;
	v6 =	vld.idx.msk [tilespmem:v6+s16+$0x0], $0xffff  }
0x5b: {  	v12 =	vmov s10;
	v10 =	vbroadcast v10, $0x0;
	v13 =	vor.u32 v0, v9;
	v3 =	vld.idx.msk [tilespmem:v3+s16+$0x0], $0xffff  }
0x5c: {  	v12 =	vand.u32 $0x7E, v12;
	v7 =	vor.u32 v0, v7;
	v16 =	vld.idx.msk [tilespmem:v2+s16+$0x0], $0xffff  }
0x5d: {  	s10 =	simm.s32 $0x7;
	v12 =	vbroadcast v12, $0x0;
	v14 =	vor.u32 v0, v10;
	v10 =	vor.u32 v1, v10;
	v8 =	vld.idx.msk [tilespmem:v8+s16+$0x0], $0xffff  }
0x5e: {  	s28 =	simm.s32 $0x3070;
	v17 =	vor.u32 v1, v9;
	v2 =	vmov s10;
	s10 =	simm.s32 $0x8;
	v4 =	vld.idx.msk [tilespmem:v4+s16+$0x0], $0xffff  }
0x5f: {  	v9 =	vor.u32 v0, v12;
	v2 =	vand.u32 $0x7F, v2;
	v18 =	vld.idx.msk [tilespmem:v11+s16+$0x0], $0xffff;
	[tilespmem:s28+$0xFFFFFF90] =	vst v5;
	v5 =	vmov s10  }
0x60: {  	s29 =	simm.s32 $0xA;
	v19 =	vld.idx.msk [tilespmem:v13+s16+$0x0], $0xffff;
	v13 =	vor.u32 v1, v12;
	s10 =	simm.s32 $0x9;
	[tilespmem:s28+$0xFFFFFFB0] =	vst v6;
	v6 =	vbroadcast v2, $0x0;
	v2 =	vand.u32 $0x7C, v5  }
0x61: {  	[tilespmem:s28+$0xFFFFFFC0] =	vst v3;
	v3 =	vmov s29;
	v11 =	vmov s10;
	v5 =	vld.idx.msk [tilespmem:v7+s16+$0x0], $0xffff;
	v7 =	vbroadcast v2, $0x0  }
0x62: {  	[tilespmem:s28+$0xFFFFFFD0] =	vst v8;
	v12 =	vand.u32 $0x7E, v3;
	v3 =	vld.idx.msk [tilespmem:v10+s16+$0x0], $0xffff;
	v11 =	vand.u32 $0x7D, v11;
	v8 =	vor.u32 v1, v6  }
0x63: {  	[tilespmem:s28+$0xFFFFFFA0] =	vst v16;
	v2 =	vld.idx.msk [tilespmem:v14+s16+$0x0], $0xffff;
	v14 =	vbroadcast v11, $0x0;
	v10 =	vor.u32 v0, v7  }
0x64: {  	[tilespmem:s28+$0xFFFFFFE0] =	vst v4;
	s10 =	simm.s32 $0xB;
	v4 =	vor.u32 v0, v6;
	v15 =	vbroadcast v12, $0x0;
	v6 =	vld.idx.msk [tilespmem:v9+s16+$0x0], $0xffff  }
0x65: {  	s29 =	simm.s32 $0x30F0;
	v16 =	vmov s10;
	[tilespmem:s28+$0x0] =	vst v18;
	v12 =	vor.u32 v1, v7;
	v7 =	vld.idx.msk [tilespmem:v13+s16+$0x0], $0xffff;
	v11 =	vor.u32 v0, v14  }
0x66: {  	s30 =	simm.s32 $0x10;
	s31 =	simm.s32 $0xC;
	v16 =	vand.u32 $0x7F, v16;
	v9 =	vor.u32 v0, v15;
	[tilespmem:s29+$0xFFFFFF90] =	vst v19;
	v13 =	vor.u32 v1, v14;
	v14 =	vld.idx.msk [tilespmem:v17+s16+$0x0], $0xffff  }
.LBB2_5:
0x67: {  	v17 =	vmov s31;
	s0 =	sadd.s32 $0x2, s31;
	s30 =	sadd.s32 $0x8, s30;
	v16 =	vbroadcast v16, $0x0;
	v18 =	vld.idx.msk [tilespmem:v8+s16+$0x0], $0xffff;
	[tilespmem:s28+$0xFFFFFFF0] =	vst v5;
	v19 =	vmov v12;
	s28 =	smov.u32 s29  }
0x68: {  	s10 =	sadd.s32 $0x1, s31;
	v20 =	vor.u32 v1, v15;
	v5 =	vand.u32 $0x7C, v17;
	v12 =	vmov s0;
	p3 =	slt.u32 s30, $0xF8;
	v17 =	vld.idx.msk [tilespmem:v10+s16+$0x0], $0xffff;
	[tilespmem:s29+$0xFFFFFFB0] =	vst v2  }
0x69: {  	v2 =	vmov s10;
	v15 =	vbroadcast v5, $0x0;
	v8 =	vor.u32 v1, v16;
	[tilespmem:s29+$0xFFFFFFC0] =	vst v3;
	v5 =	vld.idx.msk [tilespmem:v4+s16+$0x0], $0xffff  }
.Ltmp3:
0x6a: {  	v3 =	vand.u32 $0x7D, v2;
	v21 =	vand.u32 $0x7E, v12;
	v2 =	vld.idx.msk [tilespmem:v11+s16+$0x0], $0xffff;
	[tilespmem:s29+$0xFFFFFFD0] =	vst v6;
	(pc) =	sbr.rel @p3 .LBB2_5-.Ltmp3, $4  }
0x6b: {  	v4 =	vor.u32 v0, v16;
	v22 =	vbroadcast v3, $0x0;
	v10 =	vor.u32 v0, v15;
	v3 =	vld.idx.msk [tilespmem:v13+s16+$0x0], $0xffff;
	[tilespmem:s29+$0xFFFFFFE0] =	vst v7  }
0x6c: {  	s0 =	sadd.s32 $0x3, s31;
	v12 =	vor.u32 v1, v15;
	v15 =	vbroadcast v21, $0x0;
	v6 =	vld.idx.msk [tilespmem:v9+s16+$0x0], $0xffff;
	[tilespmem:s29+$0xFFFFFFA0] =	vst v14  }
0x6d: {  	v11 =	vor.u32 v0, v22;
	v14 =	vmov s0;
	s29 =	sadd.s32 $0x80, s29;
	v7 =	vld.idx.msk [tilespmem:v20+s16+$0x0], $0xffff;
	[tilespmem:s28+$0x0] =	vst v18  }
0x6e: {  	s31 =	sadd.s32 $0x4, s31;
	v13 =	vor.u32 v1, v22;
	v9 =	vor.u32 v0, v15;
	v16 =	vand.u32 $0x7F, v14;
	[tilespmem:s29+$0xFFFFFF90] =	vst v17;
	v14 =	vld.idx.msk [tilespmem:v19+s16+$0x0], $0xffff  }
0x6f: {  	_ =	sdelay $0x2  }
0x70: {  	[tilespmem:s28+$0xFFFFFFF0] =	vst v5  }
0x71: {  	v56 =	vld.idx.msk [tilespmem:v8+s16+$0x0], $0xffff;
	[tilespmem:s29+$0xFFFFFFB0] =	vst v2  }
0x72: {  	v2 =	vbroadcast v16, $0x0;
	v57 =	vld.idx.msk [tilespmem:v10+s16+$0x0], $0xffff;
	[tilespmem:s29+$0xFFFFFFC0] =	vst v3  }
0x73: {  	v58 =	vor.u32 v1, v15;
	v60 =	vld.idx.msk [tilespmem:v11+s16+$0x0], $0xffff;
	[tilespmem:s29+$0xFFFFFFD0] =	vst v6  }
0x74: {  	v3 =	vld.idx.msk [tilespmem:v4+s16+$0x0], $0xffff;
	v59 =	vor.u32 v1, v2;
	[tilespmem:s29+$0xFFFFFFE0] =	vst v7  }
0x75: {  	v61 =	vld.idx.msk [tilespmem:v13+s16+$0x0], $0xffff;
	v2 =	vor.u32 v0, v2;
	[tilespmem:s29+$0xFFFFFFA0] =	vst v14  }
0x76: {  	v9 =	vld.idx.msk [tilespmem:v9+s16+$0x0], $0xffff;
	s0 =	sadd.s32 $0x80, s29;
	[tilespmem:s29+$0x0] =	vst v56  }
0x77: {  	v63 =	vld.idx.msk [tilespmem:v12+s16+$0x0], $0xffff;
	[tilespmem:s0+$0xFFFFFF90] =	vst v57  }
0x78: {  	v62 =	vld.idx.msk [tilespmem:v58+s16+$0x0], $0xffff;
	[tilespmem:s0+$0xFFFFFFB0] =	vst v60  }
0x79: {  	[tilespmem:s29+$0xFFFFFFF0] =	vst v3;
	v3 =	vld.idx.msk [tilespmem:v59+s16+$0x0], $0xffff  }
0x7a: {  	[tilespmem:s0+$0xFFFFFFC0] =	vst v61;
	v2 =	vld.idx.msk [tilespmem:v2+s16+$0x0], $0xffff  }
0x7b: {  	[tilespmem:s0+$0xFFFFFFD0] =	vst v9  }
0x7c: {  	[tilespmem:s0+$0xFFFFFFA0] =	vst v63  }
0x7d: {  	p3 =	seq.s32 s24, $0x79;
	[tilespmem:s0+$0xFFFFFFE0] =	vst v62  }
0x7e: {  	s24 =	sadd.s32 $0x1, s24;
	s10 =	sadd.s32 @!p3 s25, s9;
	[tilespmem:s0+$0x0] =	vst v3  }
0x7f: {  	s25 =	simm.s32 @!p3 $0x7A1400;
	s28 =	simm.s32 @!p3 $0x1000;
	[tilespmem:s0+$0xFFFFFFF0] =	vst v2;
	s0 =	simm.s32 @!p3 $0x400  }
0x80: {  	[tilespmem:s28], [sflag:$0x2] =	stream.strided.gather @!p3 [hbm4b:s10+s0], $0x1000, s25, s0, $0x38;
	[tilespmem:$0x4000] =	vst v63  }
0x81: {  	p3 =	sne.s32 s24, $0x7A  }
.Ltmp4:
0x82: {  	_ = 	snop;
	(pc) =	sbr.rel @p3 .LBB2_2-.Ltmp4, $4  }
0x83: {  	_ = 	snop  }
0x84: {  	s31 =	sor.u32 s13, s26  }
0x85: {  	s0 =	sadd.s32 s4, s31  }
0x86: {  	[hbm4b:s0+s2] =	stream.linear.scatter [tilespmem:s20], [sflag:$0x4], $0x1000, $0x38;
	[tilespmem:$0x4000] =	vst v63  }
.Ltmp5:
0x87: {  	(pc) =	sbr.rel @p1 .LBB2_11-.Ltmp5, $1  }
0x88: {  	_ =	sdelay $0x3  }
0x89: {  	s0 =	simm.s32 $0x0  }
0x8a: {  	s29 =	simm.s32 $0x1;
	v2 =	vmov s0  }
0x8b: {  	v3 =	vmov s29;
	v2 =	vand.u32 $0x7C, v2  }
0x8c: {  	s30 =	simm.s32 $0x2;
	v3 =	vand.u32 $0x7D, v3;
	v2 =	vbroadcast v2, $0x0  }
0x8d: {  	_ =	swait.ge [sflag:s17], $0x1000;
	v4 =	vmov s30;
	v3 =	vbroadcast v3, $0x0  }
0x8e: {  	[sflag:s17] =	ssyncset.done $0x0;
	v4 =	vand.u32 $0x7E, v4;
	v5 =	vor.u32 v0, v2  }
0x8f: {  	s31 =	simm.s32 $0x3;
	[sflag:s17] =	ssyncadd.s32 $0xFFFFF000;
	v4 =	vbroadcast v4, $0x0;
	v6 =	vor.u32 v0, v3  }
0x90: {  	s10 =	simm.s32 $0x4;
	v7 =	vmov s31;
	_ =	swait.ge [sflag:s21], $0x1000;
	v3 =	vor.u32 v1, v3  }
0x91: {  	v9 =	vmov s10;
	v7 =	vand.u32 $0x7F, v7;
	[sflag:s21] =	ssyncset.done $0x0;
	v8 =	vor.u32 v0, v4  }
0x92: {  	s24 =	simm.s32 $0x5;
	v9 =	vand.u32 $0x7C, v9;
	v7 =	vbroadcast v7, $0x0;
	[sflag:s21] =	ssyncadd.s32 $0xFFFFF000;
	v4 =	vor.u32 v1, v4  }
0x93: {  	v10 =	vmov s24;
	v9 =	vbroadcast v9, $0x0;
	v2 =	vor.u32 v1, v2;
	v5 =	vld.idx.msk [tilespmem:v5+s2+$0x0], $0xffff  }
0x94: {  	s25 =	simm.s32 $0x6;
	v10 =	vand.u32 $0x7D, v10;
	v11 =	vor.u32 v1, v7;
	v6 =	vld.idx.msk [tilespmem:v6+s2+$0x0], $0xffff  }
0x95: {  	v12 =	vmov s25;
	v10 =	vbroadcast v10, $0x0;
	v13 =	vor.u32 v0, v9;
	v3 =	vld.idx.msk [tilespmem:v3+s2+$0x0], $0xffff  }
0x96: {  	v12 =	vand.u32 $0x7E, v12;
	v7 =	vor.u32 v0, v7;
	v8 =	vld.idx.msk [tilespmem:v8+s2+$0x0], $0xffff  }
0x97: {  	s26 =	simm.s32 $0x7;
	v12 =	vbroadcast v12, $0x0;
	v14 =	vor.u32 v0, v10;
	v10 =	vor.u32 v1, v10;
	v4 =	vld.idx.msk [tilespmem:v4+s2+$0x0], $0xffff  }
0x98: {  	s24 =	simm.s32 $0x2040;
	s29 =	simm.s32 $0x8;
	v17 =	vor.u32 v1, v9;
	v16 =	vld.idx.msk [tilespmem:v2+s2+$0x0], $0xffff;
	v2 =	vmov s26  }
0x99: {  	v9 =	vor.u32 v0, v12;
	v18 =	vld.idx.msk [tilespmem:v11+s2+$0x0], $0xffff;
	v2 =	vand.u32 $0x7F, v2;
	[tilespmem:s24+$0xFFFFFFC0] =	vst v5;
	v5 =	vmov s29  }
0x9a: {  	s30 =	simm.s32 $0x9;
	s10 =	simm.s32 $0xA;
	v19 =	vld.idx.msk [tilespmem:v13+s2+$0x0], $0xffff;
	v13 =	vor.u32 v1, v12;
	[tilespmem:s24+$0xFFFFFFE0] =	vst v6;
	v6 =	vbroadcast v2, $0x0;
	v2 =	vand.u32 $0x7C, v5  }
0x9b: {  	v11 =	vmov s30;
	[tilespmem:s24+$0xFFFFFFF0] =	vst v3;
	v3 =	vmov s10;
	v5 =	vld.idx.msk [tilespmem:v7+s2+$0x0], $0xffff;
	v7 =	vbroadcast v2, $0x0  }
0x9c: {  	v11 =	vand.u32 $0x7D, v11;
	[tilespmem:s24+$0x0] =	vst v8;
	v12 =	vand.u32 $0x7E, v3;
	v3 =	vld.idx.msk [tilespmem:v10+s2+$0x0], $0xffff;
	v8 =	vor.u32 v1, v6  }
0x9d: {  	[tilespmem:s24+$0x10] =	vst v4;
	v2 =	vld.idx.msk [tilespmem:v14+s2+$0x0], $0xffff;
	v14 =	vbroadcast v11, $0x0;
	v10 =	vor.u32 v0, v7  }
0x9e: {  	s31 =	simm.s32 $0xB;
	[tilespmem:s24+$0xFFFFFFD0] =	vst v16;
	v4 =	vor.u32 v0, v6;
	v15 =	vbroadcast v12, $0x0;
	v6 =	vld.idx.msk [tilespmem:v9+s2+$0x0], $0xffff  }
0x9f: {  	s25 =	simm.s32 $0x20C0;
	v16 =	vmov s31;
	[tilespmem:s24+$0x30] =	vst v18;
	v12 =	vor.u32 v1, v7;
	v11 =	vor.u32 v0, v14;
	v7 =	vld.idx.msk [tilespmem:v13+s2+$0x0], $0xffff  }
0xa0: {  	s28 =	simm.s32 $0xC;
	s26 =	simm.s32 $0x10;
	[tilespmem:s25+$0xFFFFFFC0] =	vst v19;
	v16 =	vand.u32 $0x7F, v16;
	v13 =	vor.u32 v1, v14;
	v9 =	vor.u32 v0, v15;
	v14 =	vld.idx.msk [tilespmem:v17+s2+$0x0], $0xffff  }
.LBB2_9:
0xa1: {  	v17 =	vmov s28;
	s0 =	sadd.s32 $0x2, s28;
	s26 =	sadd.s32 $0x8, s26;
	v16 =	vbroadcast v16, $0x0;
	v18 =	vld.idx.msk [tilespmem:v8+s2+$0x0], $0xffff;
	[tilespmem:s24+$0x20] =	vst v5;
	v19 =	vmov v12;
	s24 =	smov.u32 s25  }
0xa2: {  	s10 =	sadd.s32 $0x1, s28;
	v20 =	vor.u32 v1, v15;
	v5 =	vand.u32 $0x7C, v17;
	v12 =	vmov s0;
	p3 =	slt.u32 s26, $0xF8;
	v17 =	vld.idx.msk [tilespmem:v10+s2+$0x0], $0xffff;
	[tilespmem:s25+$0xFFFFFFE0] =	vst v2  }
0xa3: {  	v2 =	vmov s10;
	v15 =	vbroadcast v5, $0x0;
	v8 =	vor.u32 v1, v16;
	[tilespmem:s25+$0xFFFFFFF0] =	vst v3;
	v5 =	vld.idx.msk [tilespmem:v4+s2+$0x0], $0xffff  }
.Ltmp6:
0xa4: {  	v3 =	vand.u32 $0x7D, v2;
	v21 =	vand.u32 $0x7E, v12;
	v2 =	vld.idx.msk [tilespmem:v11+s2+$0x0], $0xffff;
	[tilespmem:s25+$0x0] =	vst v6;
	(pc) =	sbr.rel @p3 .LBB2_9-.Ltmp6, $4  }
0xa5: {  	v4 =	vor.u32 v0, v16;
	v22 =	vbroadcast v3, $0x0;
	v10 =	vor.u32 v0, v15;
	v3 =	vld.idx.msk [tilespmem:v13+s2+$0x0], $0xffff;
	[tilespmem:s25+$0x10] =	vst v7  }
0xa6: {  	s0 =	sadd.s32 $0x3, s28;
	v12 =	vor.u32 v1, v15;
	v15 =	vbroadcast v21, $0x0;
	v6 =	vld.idx.msk [tilespmem:v9+s2+$0x0], $0xffff;
	[tilespmem:s25+$0xFFFFFFD0] =	vst v14  }
0xa7: {  	v11 =	vor.u32 v0, v22;
	v14 =	vmov s0;
	s25 =	sadd.s32 $0x80, s25;
	v7 =	vld.idx.msk [tilespmem:v20+s2+$0x0], $0xffff;
	[tilespmem:s24+$0x30] =	vst v18  }
0xa8: {  	s28 =	sadd.s32 $0x4, s28;
	v13 =	vor.u32 v1, v22;
	v9 =	vor.u32 v0, v15;
	v16 =	vand.u32 $0x7F, v14;
	[tilespmem:s25+$0xFFFFFFC0] =	vst v17;
	v14 =	vld.idx.msk [tilespmem:v19+s2+$0x0], $0xffff  }
0xa9: {  	_ =	sdelay $0x2  }
0xaa: {  	[tilespmem:s24+$0x20] =	vst v5  }
0xab: {  	v56 =	vld.idx.msk [tilespmem:v8+s2+$0x0], $0xffff;
	[tilespmem:s25+$0xFFFFFFE0] =	vst v2  }
0xac: {  	v2 =	vbroadcast v16, $0x0;
	v57 =	vld.idx.msk [tilespmem:v10+s2+$0x0], $0xffff;
	[tilespmem:s25+$0xFFFFFFF0] =	vst v3  }
0xad: {  	v58 =	vor.u32 v1, v15;
	v60 =	vld.idx.msk [tilespmem:v11+s2+$0x0], $0xffff;
	[tilespmem:s25+$0x0] =	vst v6  }
0xae: {  	v3 =	vld.idx.msk [tilespmem:v4+s2+$0x0], $0xffff;
	v59 =	vor.u32 v1, v2;
	[tilespmem:s25+$0x10] =	vst v7  }
0xaf: {  	v61 =	vld.idx.msk [tilespmem:v13+s2+$0x0], $0xffff;
	v2 =	vor.u32 v0, v2;
	[tilespmem:s25+$0xFFFFFFD0] =	vst v14  }
0xb0: {  	v9 =	vld.idx.msk [tilespmem:v9+s2+$0x0], $0xffff;
	s0 =	sadd.s32 $0x80, s25;
	[tilespmem:s25+$0x30] =	vst v56  }
0xb1: {  	v63 =	vld.idx.msk [tilespmem:v12+s2+$0x0], $0xffff;
	[tilespmem:s0+$0xFFFFFFC0] =	vst v57  }
0xb2: {  	v62 =	vld.idx.msk [tilespmem:v58+s2+$0x0], $0xffff;
	[tilespmem:s0+$0xFFFFFFE0] =	vst v60  }
0xb3: {  	[tilespmem:s25+$0x20] =	vst v3;
	v3 =	vld.idx.msk [tilespmem:v59+s2+$0x0], $0xffff  }
0xb4: {  	[tilespmem:s0+$0xFFFFFFF0] =	vst v61;
	v2 =	vld.idx.msk [tilespmem:v2+s2+$0x0], $0xffff  }
0xb5: {  	[tilespmem:s0+$0x0] =	vst v9  }
0xb6: {  	[tilespmem:s0+$0xFFFFFFD0] =	vst v63  }
.Ltmp7:
0xb7: {  	[tilespmem:s0+$0x10] =	vst v62;
	(pc) =	sbr.rel .LBB2_11-.Ltmp7, $4  }
0xb8: {  	[tilespmem:s0+$0x30] =	vst v3  }
0xb9: {  	[tilespmem:s0+$0x20] =	vst v2  }
0xba: {  	s0 =	rddreg [dreg:$0x3]  }
0xbb: {  	[hbm4b:s0+s2] =	stream.linear.scatter [tilespmem:s18], [sflag:$0x3], $0x1000, $0x38;
	[tilespmem:$0x4000] =	vst v63  }
.LBB2_12:
0xbc: {  	_ =	sfence.sel $0x180000  }
0xbd: {  	[bflag:$0x0] =	sbarrier.arrive $0xFFFF  }
0xbe: {  	_ =	strace $0x90000047  }
0xbf: {  	[bflag:$0x2] =	sbarrier.arrive $0xFFFF  }
0xc0: {  	p0 =	sne.s32 s1, $0x0;
	s0 =	rddreg [dreg:$0x2]  }
0xc1: {  	s0 =	sadd.s32 @!p0 $0x100000, s0  }
0xc2: {  	[sflag:s0] =	ssyncadd.tile.s32 @!p0 $0x1;
	_ =	shalt  }
.Lfunc_end2:
_tile_overlayer_lowered:
.L_overlay_start_2:
0xc3: {  	(tag) =	ssettag $0x2  }
0xc4: {  	s0 =	rddreg [dreg:$0x0];
	s2 =	stileid.u32  }
0xc5: {  	s1 =	rddreg [dreg:$0x1];
	p0 =	sne.s32 s2, $0x0  }
0xc6: {  	s3 =	rddreg [dreg:$0x2];
	[bflag:$0x3] =	sbarrier.arrive $0xFFFF;
	s2 =	simm.s32 @!p0 $0x1C05  }
0xc7: {  	[timem:s3], [sflag:s2] =	dma.local @!p0 [hbm:s0], s1  }
0xc8: {  	s0 =	simm.s32 @!p0 $0x5  }
0xc9: {  	_ =	swait.ge @!p0 [sflag:s0], s1  }
0xca: {  	s1 =	ssub.s32 @!p0 $0x0, s1;
	[sflag:s0] =	ssyncset.done @!p0 $0x0  }
0xcb: {  	[sflag:s0] =	ssyncadd.s32 @!p0 s1  }
0xcc: {  	[bflag:$0x3] =	sbarrier.arrive $0xFFFF  }
0xcd: {  	_ =	shalt  }

// kernel: kernel.8.cloned.1.call-start
scs
__scs_entry_jumppad:
0x0: {  	(pc) =	sbr.rel $0x88, $3  }
0x1: {  	(tag) =	ssettag $0x0;
	lr =	simm.s32 $0x1  }
0x2: {  	[smem:$0x3F9B] =	sst lr;
	_ =	strace $0xD0000000  }
0x3: {  	_ = 	snop  }
0x4: {  	_ = 	snop  }
0x5: {  	_ = 	snop  }
0x6: {  	_ = 	snop  }
0x7: {  	_ = 	snop  }
__scs_overlays_trampoline_lowered:
0x8: {  	[smem:$0x3FAA] =	sst s0  }
0x9: {  	[smem:$0x3FAB] =	sst s1  }
0xa: {  	[smem:$0x3FAC] =	sst s2  }
0xb: {  	[smem:$0x3FAD] =	sst s3  }
0xc: {  	[smem:$0x3FAE] =	sst s4  }
0xd: {  	[smem:$0x3FAF] =	sst s5  }
0xe: {  	[smem:$0x3FB0] =	sst s6  }
0xf: {  	[smem:$0x3FB1] =	sst s7  }
0x10: {  	[smem:$0x3FB2] =	sst s8  }
0x11: {  	[smem:$0x3FB3] =	sst s9;
	s0 =	simm.s32 @!p0 $0x0  }
0x12: {  	s1 =	sld [smem:$0x3F99];
	s0 =	simm.s32 @p0 $0x1  }
0x13: {  	[smem:$0x3FB4] =	sst s0;
	s0 =	simm.s32 @!p1 $0x0  }
0x14: {  	s2 =	sld [smem:$0x3F98];
	s0 =	simm.s32 @p1 $0x1  }
0x15: {  	[smem:$0x3FB5] =	sst s0;
	s0 =	simm.s32 @!p2 $0x0  }
0x16: {  	s3 =	sld [smem:$0x3FDB];
	s0 =	simm.s32 @p2 $0x1  }
0x17: {  	s4 =	simm.s32 $0x1BF5;
	[smem:$0x3FB7] =	sst s0  }
0x18: {  	s0 =	sld [smem:$0x3F9A];
	_ =	swait.ge [sflag:s4], $0x0  }
0x19: {  	s7 =	sld [smem:$0x3F9B]  }
0x1a: {  	s8 =	sadd.s32 $0xFFFFE003, lr  }
0x1b: {  	s9 =	sadd.s32 $0xFFFFFEF7, lr;
	s5 =	simm.s32 $0xFFFFFFFF;
	p2 =	slt.u32 s8, $0xFFFFF086  }
0x1c: {  	p1 =	slt.u32 s9, $0xF7A;
	s5 =	simm.s32 @!p2 $0x0  }
0x1d: {  	s5 =	simm.s32 @p1 $0x1;
	p0 =	seq.s32 s7, s2  }
0x1e: {  	s7 =	smul.u32 @!p0 $0xF7A, s2;
	p2 =	seq.s32 @!p0 s5, $0x0  }
0x1f: {  	s9 =	smul.u32 $0xF7A, s1;
	s8 =	simm.s32 @!p0 $0x1BF5;
	p2 =	por !p2, p0  }
0x20: {  	[sflag:s8] =	ssyncset.s32 @!p0 $0xFFFFF086;
	s6 =	sadd.s32 @!p0 s3, s7;
	s7 =	simm.s32 @!p0 $0x108  }
0x21: {  	s3 =	sadd.s32 s3, s9;
	s6 =	sadd.s32 @!p0 $0x88, s6;
	s7 =	simm.s32 @p2 $0x1082  }
0x22: {  	[simem:s7], [sflag:s8] =	dma.local @!p0 [hbm:s6], $0xF7A  }
0x23: {  	s9 =	sor.u32 $0xD0000000, s2;
	s6 =	simm.s32 $0x108;
	_ =	swait.ge @!p0 [sflag:s8], $0x0  }
0x24: {  	s3 =	sadd.s32 $0x88, s3;
	s6 =	simm.s32 @!p1 $0x1082;
	[sflag:s4] =	ssyncset.s32 $0xFFFFF086  }
0x25: {  	[simem:s6], [sflag:s4] =	dma.local [hbm:s3], $0xF7A  }
0x26: {  	[smem:$0x3F9B] =	sst s1;
	(tag) =	ssettag s2;
	_ =	strace s9  }
0x27: {  	s1 =	sld [smem:$0x3FAB]  }
0x28: {  	s2 =	sld [smem:$0x3FAC]  }
0x29: {  	s4 =	sld [smem:$0x3FAE]  }
0x2a: {  	p0 =	seq.s32 s5, $0x0;
	s5 =	sld [smem:$0x3FAF]  }
0x2b: {  	s6 =	sld [smem:$0x3FB0]  }
0x2c: {  	s7 =	sld [smem:$0x3FB1]  }
0x2d: {  	s3 =	simm.s32 $0x108;
	s8 =	sld [smem:$0x3FB2]  }
0x2e: {  	s3 =	simm.s32 @!p0 $0x1082;
	s9 =	sld [smem:$0x3FB3]  }
0x2f: {  	lr =	sadd.s32 s0, s3;
	s0 =	sld [smem:$0x3FAA]  }
0x30: {  	s3 =	sld [smem:$0x3FAD]  }
0x31: {  	[smem:$0x3FB6] =	sst s10  }
0x32: {  	s10 =	sld [smem:$0x3FB4];
	_ =	sdelay $0x3  }
0x33: {  	p0 =	seq.s32 s10, $0x1;
	s10 =	sld [smem:$0x3FB6];
	_ =	sdelay $0x3  }
0x34: {  	[smem:$0x3FB6] =	sst s10  }
0x35: {  	s10 =	sld [smem:$0x3FB5];
	_ =	sdelay $0x3  }
0x36: {  	p1 =	seq.s32 s10, $0x1;
	s10 =	sld [smem:$0x3FB6];
	_ =	sdelay $0x3  }
0x37: {  	[smem:$0x3FB6] =	sst s10  }
0x38: {  	s10 =	sld [smem:$0x3FB7]  }
0x39: {  	_ = 	snop;
	(pc) =	sbr.ind lr, $3  }
0x3a: {  	_ = 	snop  }
0x3b: {  	_ = 	snop  }
0x3c: {  	p2 =	seq.s32 s10, $0x1;
	s10 =	sld [smem:$0x3FB6]  }
0x3d: {  	_ =	shalt  }
0x3e: {  	_ =	shalt  }
0x3f: {  	_ =	shalt  }
0x40: {  	_ =	shalt  }
0x41: {  	_ =	shalt  }
0x42: {  	_ =	shalt  }
0x43: {  	_ =	shalt  }
0x44: {  	_ =	shalt  }
0x45: {  	_ =	shalt  }
0x46: {  	_ =	shalt  }
0x47: {  	_ =	shalt  }
0x48: {  	_ =	shalt  }
0x49: {  	_ =	shalt  }
0x4a: {  	_ =	shalt  }
0x4b: {  	_ =	shalt  }
0x4c: {  	_ =	shalt  }
0x4d: {  	_ =	shalt  }
0x4e: {  	_ =	shalt  }
0x4f: {  	_ =	shalt  }
0x50: {  	_ =	shalt  }
0x51: {  	_ =	shalt  }
0x52: {  	_ =	shalt  }
0x53: {  	_ =	shalt  }
0x54: {  	_ =	shalt  }
0x55: {  	_ =	shalt  }
0x56: {  	_ =	shalt  }
0x57: {  	_ =	shalt  }
0x58: {  	_ =	shalt  }
0x59: {  	_ =	shalt  }
0x5a: {  	_ =	shalt  }
0x5b: {  	_ =	shalt  }
0x5c: {  	_ =	shalt  }
0x5d: {  	_ =	shalt  }
0x5e: {  	_ =	shalt  }
0x5f: {  	_ =	shalt  }
0x60: {  	_ =	shalt  }
0x61: {  	_ =	shalt  }
0x62: {  	_ =	shalt  }
0x63: {  	_ =	shalt  }
0x64: {  	_ =	shalt  }
0x65: {  	_ =	shalt  }
0x66: {  	_ =	shalt  }
0x67: {  	_ =	shalt  }
0x68: {  	_ =	shalt  }
0x69: {  	_ =	shalt  }
0x6a: {  	_ =	shalt  }
0x6b: {  	_ =	shalt  }
0x6c: {  	_ =	shalt  }
0x6d: {  	_ =	shalt  }
0x6e: {  	_ =	shalt  }
0x6f: {  	_ =	shalt  }
0x70: {  	_ =	shalt  }
0x71: {  	_ =	shalt  }
0x72: {  	_ =	shalt  }
0x73: {  	_ =	shalt  }
0x74: {  	_ =	shalt  }
0x75: {  	_ =	shalt  }
0x76: {  	_ =	shalt  }
0x77: {  	_ =	shalt  }
0x78: {  	_ =	shalt  }
0x79: {  	_ =	shalt  }
0x7a: {  	_ =	shalt  }
0x7b: {  	_ =	shalt  }
0x7c: {  	_ =	shalt  }
0x7d: {  	_ =	shalt  }
0x7e: {  	_ =	shalt  }
0x7f: {  	_ =	shalt  }
0x80: {  	_ =	shalt  }
0x81: {  	_ =	shalt  }
0x82: {  	_ =	shalt  }
0x83: {  	_ =	shalt  }
0x84: {  	_ =	shalt  }
0x85: {  	_ =	shalt  }
0x86: {  	_ =	shalt  }
0x87: {  	_ =	shalt  }
.Lfunc_end0:
.L_simem_size_0:
called_computation.1_lowered:
.L_overlay_start_0:
0x88: {  	s2 =	sld [smem:$0x3FD9]  }
0x89: {  	s3 =	sld [smem:$0x3FFE];
	_ =	sdelay $0x1  }
0x8a: {  	s1 =	srdreg.scid  }
0x8b: {  	s0 =	sand.u32 $0x1, s1  }
0x8c: {  	s17 =	sshll.u32 s0, $0xA;
	s2 =	sadd.s32 s3, s2  }
0x8d: {  	s2 =	sadd.s32 s2, s17  }
0x8e: {  	[smem:$0x3FC2] =	sst s2  }
0x8f: {  	_ = 	snop  }
0x90: {  	s2 =	sld [smem:$0x3FD0];
	(tm) =	ssettm $0x1  }
0x91: {  	s18 =	sld [smem:$0x3FFB];
	_ =	sdelay $0x3  }
0x92: {  	_ =	strace s18  }
0x93: {  	s3 =	sld [smem:$0x3FFC];
	_ =	sdelay $0x3  }
0x94: {  	_ =	strace s3  }
0x95: {  	s3 =	sld [smem:$0x3FFD];
	_ =	sdelay $0x3  }
0x96: {  	_ =	strace s3  }
0x97: {  	_ =	strace $0x8FFFFFFF  }
0x98: {  	s19 =	sld [smem:$0x3FDB];
	_ =	sdelay $0x1  }
0x99: {  	s4 =	simm.s32 $_scs_section_size  }
0x9a: {  	s5 =	simm.s32 $_size__tile_overlayer_lowered;
	s6 =	simm.s32 $_tile_overlayer_lowered  }
0x9b: {  	s22 =	simm.s32 $0x1BFF;
	s21 =	sshll.u32 s6, $0x1;
	s3 =	sadd.s32 s4, s19  }
0x9c: {  	s7 =	simm.s32 $0x0;
	s20 =	sshll.u32 s5, $0x1;
	s5 =	sadd.s32 s21, s3  }
0x9d: {  	[timem:s7], [sflag:s22] =	dma.local [hbm:s5], s20  }
0x9e: {  	_ =	swait.ge [sflag:s22], s20  }
0x9f: {  	s4 =	ssub.s32 $0x0, s20;
	[sflag:s22] =	ssyncset.done $0x0  }
0xa0: {  	[sflag:s22] =	ssyncadd.s32 s4;
	_ =	sdelay $0x1  }
0xa1: {  	s23 =	simm.s32 $0x1B8B  }
0xa2: {  	_ =	swait.ge [sflag:s23], $0x1  }
0xa3: {  	[sflag:s23] =	ssyncset.done $0x0  }
0xa4: {  	s25 =	simm.s32 $0x1B8E;
	s24 =	sld [smem:$0x3FFE];
	[sflag:s23] =	ssyncadd.s32 $0xFFFFFFFF  }
0xa5: {  	s26 =	simm.s32 $execute0_lowered;
	[smem:$0x3FD2] =	sst s25  }
0xa6: {  	s5 =	sshll.u32 s26, $0x1;
	_ =	strace $0x80000049;
	[dreg:$0x1] =	wrdreg $0xFFFFFFFF  }
0xa7: {  	s28 =	simm.s32 $_size_execute0_lowered;
	s3 =	sadd.s32 s3, s5;
	[dreg:$0x0] =	wrdreg $0x0  }
0xa8: {  	s5 =	sshll.u32 s28, $0x1;
	[dreg:$0x2] =	wrdreg s3  }
0xa9: {  	[dreg:$0x3] =	wrdreg s5  }
0xaa: {  	[dreg:$0x4] =	wrdreg $0xC0  }
0xab: {  	_ =	task [dreg:s7], $0x5FFFF  }
0xac: {  	[dreg:$0x1] =	wrdreg $0xFFFFFFFF  }
0xad: {  	[dreg:$0x0] =	wrdreg $0x60  }
0xae: {  	[dreg:$0x2] =	wrdreg s24  }
0xaf: {  	[dreg:$0x3] =	wrdreg s2  }
0xb0: {  	[dreg:$0x4] =	wrdreg $0x9  }
0xb1: {  	_ =	task.clear_ibuf [dreg:s7], $0x5FFFF;
	_ =	strace $0x90000049  }
0xb2: {  	s29 =	simm.s32 $0x9;
	_ =	strace $0x8000004B  }
0xb3: {  	_ =	swait.ge [sflag:s29], $0x1  }
0xb4: {  	[sflag:s29] =	ssyncadd.s32 $0xFFFFFFFF  }
0xb5: {  	_ =	strace $0x9000004B  }
0xb6: {  	_ =	sfence  }
0xb7: {  	s30 =	sld [smem:$0x0];
	_ =	sdelay $0x2  }
0xb8: {  	s31 =	sshll.u32 s1, $0xD;
	s1 =	sshrl.u32 s1, $0x2  }
0xb9: {  	s3 =	sand.u32 $0x4000, s31;
	s1 =	sadd.s32 s1, s30  }
0xba: {  	s0 =	sor.u32 s3, s0;
	s1 =	sshll.u32 s1, $0x11  }
0xbb: {  	s0 =	sor.u32 s1, s0  }
0xbc: {  	s0 =	sadd.s32 $0x8F2B, s0  }
0xbd: {  	[sflag:s0] =	ssyncadd.remote.s32 $0x1  }
0xbe: {  	_ =	sfence.sel $0xFFFF  }
0xbf: {  	[dreg:$0x0] =	wrdreg $0xFFFFFFFF;
	(pc) =	sbr.abs _section_cstart, $3  }
0xc0: {  	[dreg:$0x1] =	wrdreg $0xFFFFFFFF  }
0xc1: {  	_ =	task.clear_ibuf [dreg:s7], $0x2FFFF;
	_ =	strace $0x9FFFFFFF  }
0xc2: {  	(tm) =	ssettm $0x7FFFFFFF  }
0xc3: {  	_ =	shalt  }
tec
execute0_lowered:
.L_overlay_start_1:
0x0: {  	(tag) =	ssettag $0x1  }
0x1: {  	s4 =	rddreg [dreg:$0x0]  }
0x2: {  	s7 =	rddreg [dreg:$0x1]  }
0x3: {  	s0 =	rddreg [dreg:$0x2];
	s1 =	simm.s32 $0x0  }
0x4: {  	s5 =	srdreg.scid;
	s2 =	stileid.u32;
	s13 =	simm.s32 $0x3  }
0x5: {  	s14 =	simm.s32 $0x80;
	s15 =	simm.s32 $0x6400;
	s16 =	simm.s32 $0x7400  }
0x6: {  	s17 =	simm.s32 $0x1;
	s18 =	simm.s32 $0x20;
	s19 =	simm.s32 $0x2  }
0x7: {  	s20 =	simm.s32 $0x0;
	[smem:$0x7FF] =	sst s1;
	s3 =	sadd.s32 $0x1400, s4  }
0x8: {  	s8 =	sand.u32 $0x1, s5;
	s4 =	sadd.s32 $0x3D1E00, s4;
	s9 =	sshrl.u32 s2, $0x2  }
0x9: {  	s26 =	sshll.u32 s2, $0x5;
	s29 =	sshll.u32 s2, $0x7;
	_ =	strace $0x8000004A  }
0xa: {  	s6 =	ssub.s32 $0x2, s8;
	s10 =	sshll.u32 s9, $0x11;
	s11 =	sshll.u32 s8, $0x10  }
0xb: {  	s5 =	sand.u32 $0x60, s26;
	s30 =	sshll.u32 s9, $0xA;
	s12 =	sshrl.u32 s6, $0x1  }
0xc: {  	s10 =	sor.u32 s11, s10;
	[dreg:$0x3] =	wrdreg s30;
	s28 =	ssub.s32 s6, s12  }
0xd: {  	s6 =	sshll.u32 s8, $0x9;
	s10 =	sor.u32 s5, s10;
	s8 =	sshll.u32 s8, $0x6  }
0xe: {  	s11 =	simm.s32 $0x200;
	s10 =	sshrl.u32 s10, $0x3;
	s7 =	sadd.s32 s7, s8  }
0xf: {  	s12 =	simm.s32 $0x4000;
	s31 =	sadd.s32 s10, s4;
	s7 =	sadd.s32 s29, s7  }
0x10: {  	s10 =	smax.u32 s28, $0x1;
	s8 =	sadd.s32 $0x311000, s31;
	s9 =	sadd.s32 $0x311800, s31  }
.LBB2_1:
0x11: {  	[tilespmem:s1], [sflag:$0x3] =	stream.strided.gather [hbm4b:s7+s11], $0x6400, s12, s11, $0x38;
	[tilespmem:$0x8400] =	vst v63  }
0x12: {  	_ =	swait.ge [sflag:s13], $0x6400  }
0x13: {  	[sflag:s13] =	ssyncset.done $0x0  }
0x14: {  	[sflag:s13] =	ssyncadd.s32 $0xFFFF9C00  }
0x15: {  	[tilespmem:s15], [sflag:$0x1] =	stream.indirect.gather [hbm4b:s3+s14], $0x20, s1, s14, $0xb8;
	[tilespmem:$0x8400] =	vst v63  }
0x16: {  	_ = 	snop  }
0x17: {  	[tilespmem:s16], [sflag:$0x2] =	stream.indirect.gather [hbm4b:s3+s14], $0x20, s14, s14, $0xb8;
	[tilespmem:$0x8400] =	vst v63  }
0x18: {  	_ =	swait.ge [sflag:s17], $0x1000  }
0x19: {  	s22 =	sand.u32 $0x3F000, s1;
	s23 =	simm.s32 $0x0;
	s21 =	rddreg [dreg:$0x3]  }
0x1a: {  	s24 =	sand.u32 $0x100, s23;
	s21 =	sor.u32 s21, s22  }
0x1b: {  	s23 =	sor.u32 s21, s24  }
0x1c: {  	s23 =	sor.u32 s6, s23  }
0x1d: {  	s23 =	sshll.u32 s23, $0x7  }
0x1e: {  	s26 =	simm.s32 $0x400;
	s22 =	sor.u32 s24, s6;
	s25 =	sor.u32 s5, s23  }
0x1f: {  	[sflag:s17] =	ssyncset.done $0x0;
	s21 =	sor.u32 s21, s22;
	s22 =	sshrl.u32 s25, $0x3  }
0x20: {  	s28 =	simm.s32 $0x100;
	[sflag:s17] =	ssyncadd.s32 $0xFFFFF000;
	s22 =	sadd.s32 s4, s22  }
0x21: {  	[hbm4b:s22+s18] =	stream.strided.scatter [tilespmem:s15], [sflag:$0x3], $0x1000, s14, s18, $0x38;
	[tilespmem:$0x8400] =	vst v63  }
0x22: {  	s21 =	sshll.u32 s21, $0x7;
	s23 =	sand.u32 $0x3F800, s26;
	_ =	swait.ge [sflag:s13], $0x1000  }
0x23: {  	s23 =	sshrl.u32 s23, $0x2;
	s22 =	sand.u32 $0x100, s28;
	[sflag:s13] =	ssyncset.done $0x0  }
0x24: {  	s21 =	sor.u32 s5, s21;
	s22 =	sor.u32 s22, s23;
	[sflag:s13] =	ssyncadd.s32 $0xFFFFF000  }
0x25: {  	[tilespmem:s15], [sflag:$0x1] =	stream.indirect.gather [hbm4b:s3+s14], $0x20, s22, s14, $0xb8;
	[tilespmem:$0x8400] =	vst v63  }
0x26: {  	s29 =	simm.s32 $0x180;
	s21 =	sshrl.u32 s21, $0x3;
	_ =	swait.ge [sflag:s19], $0x1000  }
0x27: {  	s30 =	simm.s32 $0x600;
	s24 =	sor.u32 $0x800, s21;
	[sflag:s19] =	ssyncset.done $0x0  }
0x28: {  	s31 =	sand.u32 $0x3F800, s30;
	s24 =	sadd.s32 s4, s24;
	[sflag:s19] =	ssyncadd.s32 $0xFFFFF000  }
0x29: {  	[hbm4b:s24+s18] =	stream.strided.scatter [tilespmem:s16], [sflag:$0x3], $0x1000, s14, s18, $0x38;
	[tilespmem:$0x8400] =	vst v63  }
0x2a: {  	s21 =	simm.s32 $0x280;
	s23 =	sand.u32 $0x180, s29;
	_ =	swait.ge [sflag:s13], $0x1000  }
0x2b: {  	s22 =	simm.s32 $0x800;
	s24 =	sshrl.u32 s31, $0x2;
	[sflag:s13] =	ssyncset.done $0x0  }
0x2c: {  	s24 =	sor.u32 s23, s24;
	s23 =	simm.s32 $0xA00;
	[sflag:s13] =	ssyncadd.s32 $0xFFFFF000  }
.LBB2_2:
0x2d: {  	[tilespmem:s16], [sflag:$0x2] =	stream.indirect.gather [hbm4b:s3+s14], $0x20, s24, s14, $0xb8;
	[tilespmem:$0x8400] =	vst v63  }
0x2e: {  	s24 =	smov.u32 s21;
	_ =	swait.ge [sflag:s17], $0x1000  }
0x2f: {  	s26 =	sand.u32 $0x3F000, s22;
	s28 =	sadd.s32 $0xFFFFFE80, s24;
	s25 =	rddreg [dreg:$0x3]  }
0x30: {  	s31 =	sand.u32 $0x100, s28;
	s25 =	sor.u32 s25, s26  }
0x31: {  	s28 =	sor.u32 s25, s31  }
0x32: {  	s28 =	sor.u32 s6, s28  }
0x33: {  	s26 =	sor.u32 s31, s6;
	s28 =	sshll.u32 s28, $0x7  }
0x34: {  	s25 =	sor.u32 s25, s26;
	s26 =	sor.u32 s5, s28  }
0x35: {  	s29 =	sadd.s32 $0xFFFFFE00, s23;
	[sflag:s17] =	ssyncset.done $0x0;
	s26 =	sshrl.u32 s26, $0x3  }
0x36: {  	s30 =	sadd.s32 $0xFFFFFF80, s24;
	[sflag:s17] =	ssyncadd.s32 $0xFFFFF000;
	s26 =	sadd.s32 s4, s26  }
0x37: {  	[hbm4b:s26+s18] =	stream.strided.scatter [tilespmem:s15], [sflag:$0x3], $0x1000, s14, s18, $0x38;
	[tilespmem:$0x8400] =	vst v63  }
0x38: {  	s25 =	sshll.u32 s25, $0x7;
	s28 =	sand.u32 $0x3F800, s29;
	_ =	swait.ge [sflag:s13], $0x1000  }
0x39: {  	s28 =	sshrl.u32 s28, $0x2;
	s26 =	sand.u32 $0x100, s30;
	[sflag:s13] =	ssyncset.done $0x0  }
0x3a: {  	s25 =	sor.u32 s5, s25;
	s26 =	sor.u32 s26, s28;
	[sflag:s13] =	ssyncadd.s32 $0xFFFFF000  }
0x3b: {  	[tilespmem:s15], [sflag:$0x1] =	stream.indirect.gather [hbm4b:s3+s14], $0x20, s26, s14, $0xb8;
	[tilespmem:$0x8400] =	vst v63  }
0x3c: {  	p0 =	sne.s32 s21, $0x6380;
	s25 =	sshrl.u32 s25, $0x3;
	_ =	swait.ge [sflag:s19], $0x1000  }
0x3d: {  	s21 =	sadd.s32 $0x100, s21;
	s25 =	sor.u32 $0x800, s25;
	[sflag:s19] =	ssyncset.done $0x0  }
.Ltmp0:
0x3e: {  	s25 =	sadd.s32 s4, s25;
	[sflag:s19] =	ssyncadd.s32 $0xFFFFF000;
	(pc) =	sbr.rel @p0 .LBB2_2-.Ltmp0, $4  }
0x3f: {  	[hbm4b:s25+s18] =	stream.strided.scatter [tilespmem:s16], [sflag:$0x3], $0x1000, s14, s18, $0x38;
	[tilespmem:$0x8400] =	vst v63  }
0x40: {  	s22 =	sadd.s32 $0x800, s22;
	s31 =	sand.u32 $0x3F800, s23;
	_ =	swait.ge [sflag:s13], $0x1000  }
0x41: {  	s24 =	sand.u32 $0x180, s24;
	s25 =	sshrl.u32 s31, $0x2;
	[sflag:s13] =	ssyncset.done $0x0  }
0x42: {  	s23 =	sadd.s32 $0x400, s23;
	s24 =	sor.u32 s24, s25;
	[sflag:s13] =	ssyncadd.s32 $0xFFFFF000  }
0x43: {  	[tilespmem:s16], [sflag:$0x2] =	stream.indirect.gather [hbm4b:s3+s14], $0x20, s24, s14, $0xb8;
	[tilespmem:$0x8400] =	vst v63  }
0x44: {  	_ =	swait.ge [sflag:s17], $0x1000  }
0x45: {  	[sflag:s17] =	ssyncset.done $0x0  }
0x46: {  	[sflag:s17] =	ssyncadd.s32 $0xFFFFF000  }
0x47: {  	[hbm4b:s8+s18] =	stream.strided.scatter [tilespmem:s15], [sflag:$0x3], $0x1000, s14, s18, $0x38;
	[tilespmem:$0x8400] =	vst v63  }
0x48: {  	_ =	swait.ge [sflag:s13], $0x1000  }
0x49: {  	[sflag:s13] =	ssyncset.done $0x0  }
0x4a: {  	[sflag:s13] =	ssyncadd.s32 $0xFFFFF000  }
0x4b: {  	s20 =	sadd.s32 $0x1, s20;
	_ =	swait.ge [sflag:s19], $0x1000  }
0x4c: {  	p0 =	sne.s32 s20, s10;
	[sflag:s19] =	ssyncset.done $0x0  }
.Ltmp1:
0x4d: {  	[sflag:s19] =	ssyncadd.s32 $0xFFFFF000;
	(pc) =	sbr.rel @p0 .LBB2_1-.Ltmp1, $4  }
0x4e: {  	[hbm4b:s9+s18] =	stream.strided.scatter [tilespmem:s16], [sflag:$0x3], $0x1000, s14, s18, $0x38;
	[tilespmem:$0x8400] =	vst v63  }
0x4f: {  	_ =	swait.ge [sflag:s13], $0x1000  }
0x50: {  	[sflag:s13] =	ssyncset.done $0x0  }
0x51: {  	[sflag:s13] =	ssyncadd.s32 $0xFFFFF000  }
0x52: {  	_ =	sfence.sel $0x180000  }
0x53: {  	[bflag:$0x0] =	sbarrier.arrive $0xFFFF  }
0x54: {  	p0 =	sne.s32 s2, $0x0;
	_ =	strace $0x9000004A  }
0x55: {  	s0 =	sadd.s32 @!p0 $0x100000, s0;
	[bflag:$0x2] =	sbarrier.arrive $0xFFFF  }
0x56: {  	[sflag:s0] =	ssyncadd.tile.s32 @!p0 $0x1;
	_ =	shalt  }
.Lfunc_end2:
_tile_overlayer_lowered:
.L_overlay_start_2:
0x57: {  	(tag) =	ssettag $0x2  }
0x58: {  	s0 =	rddreg [dreg:$0x0];
	s2 =	stileid.u32  }
0x59: {  	s1 =	rddreg [dreg:$0x1];
	p0 =	sne.s32 s2, $0x0  }
0x5a: {  	s3 =	rddreg [dreg:$0x2];
	[bflag:$0x3] =	sbarrier.arrive $0xFFFF;
	s2 =	simm.s32 @!p0 $0x1C03  }
0x5b: {  	[timem:s3], [sflag:s2] =	dma.local @!p0 [hbm:s0], s1  }
0x5c: {  	s0 =	simm.s32 @!p0 $0x3  }
0x5d: {  	_ =	swait.ge @!p0 [sflag:s0], s1  }
0x5e: {  	s1 =	ssub.s32 @!p0 $0x0, s1;
	[sflag:s0] =	ssyncset.done @!p0 $0x0  }
0x5f: {  	[sflag:s0] =	ssyncadd.s32 @!p0 s1  }
0x60: {  	[bflag:$0x3] =	sbarrier.arrive $0xFFFF  }
0x61: {  	_ =	shalt  }

</sc_bundles>
